<compile_context>
chip_gen: v7x
topology: tpu7x:2x2x1
jax: 0.10.2.dev20260603
libtpu: 0.0.44.dev20260713+nightly
codegen_flags: <defaults>
</compile_context>

<pallas_src>
import functools

import jax
import jax.numpy as jnp
from jax import lax
from jax.experimental import pallas as pl
from jax.experimental.pallas import tpu as pltpu
from jax.experimental.pallas import tpu_sc as plsc

BATCH = 4096
T = 200
D = 64
NC, NS = 2, 16
NW = NC * NS
G = 128
CG = 5
N_CHUNKS = T // CG


def _emb_kernel(idx_hbm, table_hbm, out_hbm, idx_v, rows_v,
                gsem0, gsem1, ssem0, ssem1):
    wid = lax.axis_index("s") * NC + lax.axis_index("c")
    b0 = wid * G

    def load_idx(c, b):
        pltpu.sync_copy(idx_hbm.at[pl.ds(c * CG, CG), pl.ds(b0, G)],
                        idx_v.at[b])

    def g_copies(b, sem):
        return [
            pltpu.make_async_copy(
                table_hbm.at[idx_v.at[b, j]],
                rows_v.at[b, j],
                sem,
            )
            for j in range(CG)
        ]

    def s_copy(c, b, sem):
        return pltpu.make_async_copy(
            rows_v.at[b],
            out_hbm.at[pl.ds(c * CG, CG), pl.ds(b0, G), :],
            sem,
        )

    def fire_gather(c, b, sem):
        load_idx(c, b)
        for cp in g_copies(b, sem):
            cp.start()

    def wait_gather(b, sem):
        for cp in g_copies(b, sem):
            cp.wait()

    fire_gather(0, 0, gsem0)
    fire_gather(1, 1, gsem1)

    def body(i, carry):
        c0 = 2 * i
        wait_gather(0, gsem0)
        s_copy(c0, 0, ssem0).start()
        wait_gather(1, gsem1)
        s_copy(c0 + 1, 1, ssem1).start()
        s_copy(c0, 0, ssem0).wait()
        fire_gather(c0 + 2, 0, gsem0)
        s_copy(c0 + 1, 1, ssem1).wait()
        fire_gather(c0 + 3, 1, gsem1)
        return carry

    lax.fori_loop(0, N_CHUNKS // 2 - 1, body, 0)

    cl = N_CHUNKS - 2
    wait_gather(0, gsem0)
    s_copy(cl, 0, ssem0).start()
    wait_gather(1, gsem1)
    s_copy(cl + 1, 1, ssem1).start()
    s_copy(cl, 0, ssem0).wait()
    s_copy(cl + 1, 1, ssem1).wait()


def kernel(text, table):
    idx = text.T
    mesh = plsc.VectorSubcoreMesh(core_axis_name="c", subcore_axis_name="s")

    run = functools.partial(
        pl.kernel,
        out_type=jax.ShapeDtypeStruct((T, BATCH, D), jnp.float32),
        mesh=mesh,
        scratch_types=[
            pltpu.VMEM((2, CG, G), jnp.int32),
            pltpu.VMEM((2, CG, G, D), jnp.float32),
            pltpu.SemaphoreType.DMA,
            pltpu.SemaphoreType.DMA,
            pltpu.SemaphoreType.DMA,
            pltpu.SemaphoreType.DMA,
        ],
        compiler_params=pltpu.CompilerParams(use_tc_tiling_on_sc=False),
    )(_emb_kernel)

    out = run(idx, table)
    return out.transpose(1, 0, 2)

# --- scband reference (transcript-rebuilt; emitter-appended) ---
"""Pipeline reference for scband-nn-glove-42580305772614 (READ-ONLY COPY).

The authoritative reference and input builder live on the scoring server;
editing this copy changes nothing except your own understanding.
"""

import jax, jax.numpy as jnp
import numpy as np

VOCAB = 1000000
EMBED_DIM = 64
BATCH = 4096
HIST_LEN = 200


def setup_inputs(seed: int = 0) -> dict:
    key = jax.random.key(seed)
    k1, k2 = jax.random.split(key)
    text = jax.random.randint(k1, (BATCH, HIST_LEN), 0, VOCAB, dtype=jnp.int64 if jax.config.jax_enable_x64 else jnp.int32)
    table = jax.random.normal(k2, (VOCAB, EMBED_DIM), dtype=jnp.float32)
    # row 0 is the OOB vector (all zeros), as in nnGlove.load_glove
    table = table.at[0].set(0.0)
    return {"text": text, "table": table}


def reference(text, table):
    # nnGlove.forward: embedded = self.embedding_layer(text)
    embedded = jnp.take(table, text, axis=0)
    return embedded

if __name__ == "__main__":
    import jax
    _d = setup_inputs()
    print(jax.jit(kernel)(*tuple(_d.values())))

</pallas_src>

<mosaic_0001>
#map = affine_map<(d0, d1) -> (0, 0)>
#map1 = affine_map<(d0, d1) -> (0, 0, 0)>
module attributes {stable_mosaic.version = 14 : i64} {
  func.func @_emb_kernel(%arg0: i32, %arg1: i32, %arg2: memref<200x4096xi32, #tpu.memory_space<hbm>>, %arg3: memref<1000000x64xf32, #tpu.memory_space<hbm>>, %arg4: memref<200x4096x64xf32, #tpu.memory_space<hbm>>, %arg5: memref<2x5x128xi32, #tpu.memory_space<vmem>>, %arg6: memref<2x5x128x64xf32, #tpu.memory_space<vmem>>, %arg7: memref<!tpu.dma_semaphore, #tpu.memory_space<semaphore_mem>>, %arg8: memref<!tpu.dma_semaphore, #tpu.memory_space<semaphore_mem>>, %arg9: memref<!tpu.dma_semaphore, #tpu.memory_space<semaphore_mem>>, %arg10: memref<!tpu.dma_semaphore, #tpu.memory_space<semaphore_mem>>) attributes {dimension_semantics = [#tpu.dimension_semantics<core_parallel>, #tpu.dimension_semantics<subcore_parallel>], iteration_bounds = array<i64: 2, 16>, scalar_prefetch = 0 : i64, scratch_operands = 6 : i64, tpu.core_type = #tpu.core_type<sc_vector_subcore>, window_params = [{transform_indices = #map}, {transform_indices = #map}, {transform_indices = #map1}]} {
    %mul3A = arith.constant 2 : i32
    %mul3A_0 = arith.muli %arg1, %mul3A : i32
    %add3A = arith.addi %mul3A_0, %arg0 : i32
    %mul3A_1 = arith.constant 128 : i32
    %mul3A_2 = arith.muli %add3A, %mul3A_1 : i32
    %run_scoped3A = arith.constant 0 : i32
    "tpu.region"() ({
      %run_scoped3A_355 = tpu.sem_alloc : memref<!tpu.dma_semaphore, #tpu.memory_space<semaphore_mem>>
      %dma_start3A_356 = arith.constant 0 : i32
      %dma_start3A_357 = arith.constant 0 : i32
      %dma_start3A_358 = tpu.memref_slice %arg5[%run_scoped3A, %dma_start3A_356, %dma_start3A_357] : memref<2x5x128xi32, #tpu.memory_space<vmem>> -> memref<1x5x128xi32, #tpu.memory_space<vmem>>
      %dma_start3A_359 = tpu.memref_squeeze %dma_start3A_358 : memref<1x5x128xi32, #tpu.memory_space<vmem>> -> memref<5x128xi32, #tpu.memory_space<vmem>>
      %dma_start3A_360 = arith.constant 0 : i32
      %dma_start3A_361 = tpu.memref_slice %arg2[%dma_start3A_360, %mul3A_2] : memref<200x4096xi32, #tpu.memory_space<hbm>> -> memref<5x128xi32, #tpu.memory_space<hbm>>
      %dma_start3A_362 = arith.constant 0 : i32
      %dma_start3A_363 = arith.constant 0 : i32
      %dma_start3A_364 = tpu.memref_slice %arg5[%run_scoped3A, %dma_start3A_362, %dma_start3A_363] : memref<2x5x128xi32, #tpu.memory_space<vmem>> -> memref<1x5x128xi32, #tpu.memory_space<vmem>>
      %dma_start3A_365 = tpu.memref_squeeze %dma_start3A_364 : memref<1x5x128xi32, #tpu.memory_space<vmem>> -> memref<5x128xi32, #tpu.memory_space<vmem>>
      %dma_start3A_366 = arith.constant 0 : i32
      %dma_start3A_367 = tpu.memref_slice %arg2[%dma_start3A_366, %mul3A_2] : memref<200x4096xi32, #tpu.memory_space<hbm>> -> memref<5x128xi32, #tpu.memory_space<hbm>>
      tpu.enqueue_dma source(%dma_start3A_367 : memref<5x128xi32, #tpu.memory_space<hbm>>) target(%dma_start3A_365 : memref<5x128xi32, #tpu.memory_space<vmem>>) target_semaphore(%run_scoped3A_355 : memref<!tpu.dma_semaphore, #tpu.memory_space<semaphore_mem>>)
      %dma_wait3A_368 = arith.constant 0 : i32
      %dma_wait3A_369 = arith.constant 0 : i32
      %dma_wait3A_370 = tpu.memref_slice %arg5[%run_scoped3A, %dma_wait3A_368, %dma_wait3A_369] : memref<2x5x128xi32, #tpu.memory_space<vmem>> -> memref<1x5x128xi32, #tpu.memory_space<vmem>>
      %dma_wait3A_371 = tpu.memref_squeeze %dma_wait3A_370 : memref<1x5x128xi32, #tpu.memory_space<vmem>> -> memref<5x128xi32, #tpu.memory_space<vmem>>
      %dma_wait3A_372 = arith.constant 0 : i32
      %dma_wait3A_373 = tpu.memref_slice %arg2[%dma_wait3A_372, %mul3A_2] : memref<200x4096xi32, #tpu.memory_space<hbm>> -> memref<5x128xi32, #tpu.memory_space<hbm>>
      %dma_wait3A_374 = arith.constant 0 : i32
      %dma_wait3A_375 = arith.constant 0 : i32
      %dma_wait3A_376 = tpu.memref_slice %arg5[%run_scoped3A, %dma_wait3A_374, %dma_wait3A_375] : memref<2x5x128xi32, #tpu.memory_space<vmem>> -> memref<1x5x128xi32, #tpu.memory_space<vmem>>
      %dma_wait3A_377 = tpu.memref_squeeze %dma_wait3A_376 : memref<1x5x128xi32, #tpu.memory_space<vmem>> -> memref<5x128xi32, #tpu.memory_space<vmem>>
      %dma_wait3A_378 = arith.constant 0 : i32
      %dma_wait3A_379 = tpu.memref_slice %arg2[%dma_wait3A_378, %mul3A_2] : memref<200x4096xi32, #tpu.memory_space<hbm>> -> memref<5x128xi32, #tpu.memory_space<hbm>>
      tpu.wait_dma2 semaphore(%run_scoped3A_355 : memref<!tpu.dma_semaphore, #tpu.memory_space<semaphore_mem>>) src(%dma_wait3A_379 : memref<5x128xi32, #tpu.memory_space<hbm>>) dst(%dma_wait3A_377 : memref<5x128xi32, #tpu.memory_space<vmem>>)
      tpu.yield
    }) : () -> ()
    %dma_start3A = arith.constant 0 : i32
    %dma_start3A_3 = arith.constant 0 : i32
    %dma_start3A_4 = arith.constant 0 : i32
    %dma_start3A_5 = arith.constant 0 : i32
    %dma_start3A_6 = arith.constant 0 : i32
    %dma_start3A_7 = arith.constant 0 : i32
    %dma_start3A_8 = tpu.memref_slice %arg6[%dma_start3A_4, %dma_start3A_5, %dma_start3A_6, %dma_start3A_7] : memref<2x5x128x64xf32, #tpu.memory_space<vmem>> -> memref<1x1x128x64xf32, #tpu.memory_space<vmem>>
    %dma_start3A_9 = tpu.memref_squeeze %dma_start3A_8 : memref<1x1x128x64xf32, #tpu.memory_space<vmem>> -> memref<128x64xf32, #tpu.memory_space<vmem>>
    %dma_start3A_10 = arith.constant 0 : i32
    %dma_start3A_11 = tpu.memref_slice %arg5[%dma_start3A, %dma_start3A_3, %dma_start3A_10] : memref<2x5x128xi32, #tpu.memory_space<vmem>> -> memref<1x1x128xi32, #tpu.memory_space<vmem>>
    %dma_start3A_12 = tpu.memref_squeeze %dma_start3A_11 : memref<1x1x128xi32, #tpu.memory_space<vmem>> -> memref<128xi32, #tpu.memory_space<vmem>>
    %dma_start3A_13 = arith.constant 0 : i32
    %dma_start3A_14 = arith.constant 0 : i32
    %dma_start3A_15 = tpu.memref_slice %arg3[%dma_start3A_13, %dma_start3A_14] : memref<1000000x64xf32, #tpu.memory_space<hbm>> -> memref<1000000x64xf32, #tpu.memory_space<hbm>>
    tpu.enqueue_indirect_dma source(%dma_start3A_15 : memref<1000000x64xf32, #tpu.memory_space<hbm>>) target(%dma_start3A_9 : memref<128x64xf32, #tpu.memory_space<vmem>>) offsets(%dma_start3A_12 : memref<128xi32, #tpu.memory_space<vmem>>) semaphore(%arg7 : memref<!tpu.dma_semaphore, #tpu.memory_space<semaphore_mem>>)
    %dma_start3A_16 = arith.constant 0 : i32
    %dma_start3A_17 = arith.constant 1 : i32
    %dma_start3A_18 = arith.constant 0 : i32
    %dma_start3A_19 = arith.constant 1 : i32
    %dma_start3A_20 = arith.constant 0 : i32
    %dma_start3A_21 = arith.constant 0 : i32
    %dma_start3A_22 = tpu.memref_slice %arg6[%dma_start3A_18, %dma_start3A_19, %dma_start3A_20, %dma_start3A_21] : memref<2x5x128x64xf32, #tpu.memory_space<vmem>> -> memref<1x1x128x64xf32, #tpu.memory_space<vmem>>
    %dma_start3A_23 = tpu.memref_squeeze %dma_start3A_22 : memref<1x1x128x64xf32, #tpu.memory_space<vmem>> -> memref<128x64xf32, #tpu.memory_space<vmem>>
    %dma_start3A_24 = arith.constant 0 : i32
    %dma_start3A_25 = tpu.memref_slice %arg5[%dma_start3A_16, %dma_start3A_17, %dma_start3A_24] : memref<2x5x128xi32, #tpu.memory_space<vmem>> -> memref<1x1x128xi32, #tpu.memory_space<vmem>>
    %dma_start3A_26 = tpu.memref_squeeze %dma_start3A_25 : memref<1x1x128xi32, #tpu.memory_space<vmem>> -> memref<128xi32, #tpu.memory_space<vmem>>
    %dma_start3A_27 = arith.constant 0 : i32
    %dma_start3A_28 = arith.constant 0 : i32
    %dma_start3A_29 = tpu.memref_slice %arg3[%dma_start3A_27, %dma_start3A_28] : memref<1000000x64xf32, #tpu.memory_space<hbm>> -> memref<1000000x64xf32, #tpu.memory_space<hbm>>
    tpu.enqueue_indirect_dma source(%dma_start3A_29 : memref<1000000x64xf32, #tpu.memory_space<hbm>>) target(%dma_start3A_23 : memref<128x64xf32, #tpu.memory_space<vmem>>) offsets(%dma_start3A_26 : memref<128xi32, #tpu.memory_space<vmem>>) semaphore(%arg7 : memref<!tpu.dma_semaphore, #tpu.memory_space<semaphore_mem>>)
    %dma_start3A_30 = arith.constant 0 : i32
    %dma_start3A_31 = arith.constant 2 : i32
    %dma_start3A_32 = arith.constant 0 : i32
    %dma_start3A_33 = arith.constant 2 : i32
    %dma_start3A_34 = arith.constant 0 : i32
    %dma_start3A_35 = arith.constant 0 : i32
    %dma_start3A_36 = tpu.memref_slice %arg6[%dma_start3A_32, %dma_start3A_33, %dma_start3A_34, %dma_start3A_35] : memref<2x5x128x64xf32, #tpu.memory_space<vmem>> -> memref<1x1x128x64xf32, #tpu.memory_space<vmem>>
    %dma_start3A_37 = tpu.memref_squeeze %dma_start3A_36 : memref<1x1x128x64xf32, #tpu.memory_space<vmem>> -> memref<128x64xf32, #tpu.memory_space<vmem>>
    %dma_start3A_38 = arith.constant 0 : i32
    %dma_start3A_39 = tpu.memref_slice %arg5[%dma_start3A_30, %dma_start3A_31, %dma_start3A_38] : memref<2x5x128xi32, #tpu.memory_space<vmem>> -> memref<1x1x128xi32, #tpu.memory_space<vmem>>
    %dma_start3A_40 = tpu.memref_squeeze %dma_start3A_39 : memref<1x1x128xi32, #tpu.memory_space<vmem>> -> memref<128xi32, #tpu.memory_space<vmem>>
    %dma_start3A_41 = arith.constant 0 : i32
    %dma_start3A_42 = arith.constant 0 : i32
    %dma_start3A_43 = tpu.memref_slice %arg3[%dma_start3A_41, %dma_start3A_42] : memref<1000000x64xf32, #tpu.memory_space<hbm>> -> memref<1000000x64xf32, #tpu.memory_space<hbm>>
    tpu.enqueue_indirect_dma source(%dma_start3A_43 : memref<1000000x64xf32, #tpu.memory_space<hbm>>) target(%dma_start3A_37 : memref<128x64xf32, #tpu.memory_space<vmem>>) offsets(%dma_start3A_40 : memref<128xi32, #tpu.memory_space<vmem>>) semaphore(%arg7 : memref<!tpu.dma_semaphore, #tpu.memory_space<semaphore_mem>>)
    %dma_start3A_44 = arith.constant 0 : i32
    %dma_start3A_45 = arith.constant 3 : i32
    %dma_start3A_46 = arith.constant 0 : i32
    %dma_start3A_47 = arith.constant 3 : i32
    %dma_start3A_48 = arith.constant 0 : i32
    %dma_start3A_49 = arith.constant 0 : i32
    %dma_start3A_50 = tpu.memref_slice %arg6[%dma_start3A_46, %dma_start3A_47, %dma_start3A_48, %dma_start3A_49] : memref<2x5x128x64xf32, #tpu.memory_space<vmem>> -> memref<1x1x128x64xf32, #tpu.memory_space<vmem>>
    %dma_start3A_51 = tpu.memref_squeeze %dma_start3A_50 : memref<1x1x128x64xf32, #tpu.memory_space<vmem>> -> memref<128x64xf32, #tpu.memory_space<vmem>>
    %dma_start3A_52 = arith.constant 0 : i32
    %dma_start3A_53 = tpu.memref_slice %arg5[%dma_start3A_44, %dma_start3A_45, %dma_start3A_52] : memref<2x5x128xi32, #tpu.memory_space<vmem>> -> memref<1x1x128xi32, #tpu.memory_space<vmem>>
    %dma_start3A_54 = tpu.memref_squeeze %dma_start3A_53 : memref<1x1x128xi32, #tpu.memory_space<vmem>> -> memref<128xi32, #tpu.memory_space<vmem>>
    %dma_start3A_55 = arith.constant 0 : i32
    %dma_start3A_56 = arith.constant 0 : i32
    %dma_start3A_57 = tpu.memref_slice %arg3[%dma_start3A_55, %dma_start3A_56] : memref<1000000x64xf32, #tpu.memory_space<hbm>> -> memref<1000000x64xf32, #tpu.memory_space<hbm>>
    tpu.enqueue_indirect_dma source(%dma_start3A_57 : memref<1000000x64xf32, #tpu.memory_space<hbm>>) target(%dma_start3A_51 : memref<128x64xf32, #tpu.memory_space<vmem>>) offsets(%dma_start3A_54 : memref<128xi32, #tpu.memory_space<vmem>>) semaphore(%arg7 : memref<!tpu.dma_semaphore, #tpu.memory_space<semaphore_mem>>)
    %dma_start3A_58 = arith.constant 0 : i32
    %dma_start3A_59 = arith.constant 4 : i32
    %dma_start3A_60 = arith.constant 0 : i32
    %dma_start3A_61 = arith.constant 4 : i32
    %dma_start3A_62 = arith.constant 0 : i32
    %dma_start3A_63 = arith.constant 0 : i32
    %dma_start3A_64 = tpu.memref_slice %arg6[%dma_start3A_60, %dma_start3A_61, %dma_start3A_62, %dma_start3A_63] : memref<2x5x128x64xf32, #tpu.memory_space<vmem>> -> memref<1x1x128x64xf32, #tpu.memory_space<vmem>>
    %dma_start3A_65 = tpu.memref_squeeze %dma_start3A_64 : memref<1x1x128x64xf32, #tpu.memory_space<vmem>> -> memref<128x64xf32, #tpu.memory_space<vmem>>
    %dma_start3A_66 = arith.constant 0 : i32
    %dma_start3A_67 = tpu.memref_slice %arg5[%dma_start3A_58, %dma_start3A_59, %dma_start3A_66] : memref<2x5x128xi32, #tpu.memory_space<vmem>> -> memref<1x1x128xi32, #tpu.memory_space<vmem>>
    %dma_start3A_68 = tpu.memref_squeeze %dma_start3A_67 : memref<1x1x128xi32, #tpu.memory_space<vmem>> -> memref<128xi32, #tpu.memory_space<vmem>>
    %dma_start3A_69 = arith.constant 0 : i32
    %dma_start3A_70 = arith.constant 0 : i32
    %dma_start3A_71 = tpu.memref_slice %arg3[%dma_start3A_69, %dma_start3A_70] : memref<1000000x64xf32, #tpu.memory_space<hbm>> -> memref<1000000x64xf32, #tpu.memory_space<hbm>>
    tpu.enqueue_indirect_dma source(%dma_start3A_71 : memref<1000000x64xf32, #tpu.memory_space<hbm>>) target(%dma_start3A_65 : memref<128x64xf32, #tpu.memory_space<vmem>>) offsets(%dma_start3A_68 : memref<128xi32, #tpu.memory_space<vmem>>) semaphore(%arg7 : memref<!tpu.dma_semaphore, #tpu.memory_space<semaphore_mem>>)
    %run_scoped3A_72 = arith.constant 1 : i32
    "tpu.region"() ({
      %run_scoped3A_355 = tpu.sem_alloc : memref<!tpu.dma_semaphore, #tpu.memory_space<semaphore_mem>>
      %dma_start3A_356 = arith.constant 0 : i32
      %dma_start3A_357 = arith.constant 0 : i32
      %dma_start3A_358 = tpu.memref_slice %arg5[%run_scoped3A_72, %dma_start3A_356, %dma_start3A_357] : memref<2x5x128xi32, #tpu.memory_space<vmem>> -> memref<1x5x128xi32, #tpu.memory_space<vmem>>
      %dma_start3A_359 = tpu.memref_squeeze %dma_start3A_358 : memref<1x5x128xi32, #tpu.memory_space<vmem>> -> memref<5x128xi32, #tpu.memory_space<vmem>>
      %dma_start3A_360 = arith.constant 5 : i32
      %dma_start3A_361 = tpu.memref_slice %arg2[%dma_start3A_360, %mul3A_2] : memref<200x4096xi32, #tpu.memory_space<hbm>> -> memref<5x128xi32, #tpu.memory_space<hbm>>
      %dma_start3A_362 = arith.constant 0 : i32
      %dma_start3A_363 = arith.constant 0 : i32
      %dma_start3A_364 = tpu.memref_slice %arg5[%run_scoped3A_72, %dma_start3A_362, %dma_start3A_363] : memref<2x5x128xi32, #tpu.memory_space<vmem>> -> memref<1x5x128xi32, #tpu.memory_space<vmem>>
      %dma_start3A_365 = tpu.memref_squeeze %dma_start3A_364 : memref<1x5x128xi32, #tpu.memory_space<vmem>> -> memref<5x128xi32, #tpu.memory_space<vmem>>
      %dma_start3A_366 = arith.constant 5 : i32
      %dma_start3A_367 = tpu.memref_slice %arg2[%dma_start3A_366, %mul3A_2] : memref<200x4096xi32, #tpu.memory_space<hbm>> -> memref<5x128xi32, #tpu.memory_space<hbm>>
      tpu.enqueue_dma source(%dma_start3A_367 : memref<5x128xi32, #tpu.memory_space<hbm>>) target(%dma_start3A_365 : memref<5x128xi32, #tpu.memory_space<vmem>>) target_semaphore(%run_scoped3A_355 : memref<!tpu.dma_semaphore, #tpu.memory_space<semaphore_mem>>)
      %dma_wait3A_368 = arith.constant 0 : i32
      %dma_wait3A_369 = arith.constant 0 : i32
      %dma_wait3A_370 = tpu.memref_slice %arg5[%run_scoped3A_72, %dma_wait3A_368, %dma_wait3A_369] : memref<2x5x128xi32, #tpu.memory_space<vmem>> -> memref<1x5x128xi32, #tpu.memory_space<vmem>>
      %dma_wait3A_371 = tpu.memref_squeeze %dma_wait3A_370 : memref<1x5x128xi32, #tpu.memory_space<vmem>> -> memref<5x128xi32, #tpu.memory_space<vmem>>
      %dma_wait3A_372 = arith.constant 5 : i32
      %dma_wait3A_373 = tpu.memref_slice %arg2[%dma_wait3A_372, %mul3A_2] : memref<200x4096xi32, #tpu.memory_space<hbm>> -> memref<5x128xi32, #tpu.memory_space<hbm>>
      %dma_wait3A_374 = arith.constant 0 : i32
      %dma_wait3A_375 = arith.constant 0 : i32
      %dma_wait3A_376 = tpu.memref_slice %arg5[%run_scoped3A_72, %dma_wait3A_374, %dma_wait3A_375] : memref<2x5x128xi32, #tpu.memory_space<vmem>> -> memref<1x5x128xi32, #tpu.memory_space<vmem>>
      %dma_wait3A_377 = tpu.memref_squeeze %dma_wait3A_376 : memref<1x5x128xi32, #tpu.memory_space<vmem>> -> memref<5x128xi32, #tpu.memory_space<vmem>>
      %dma_wait3A_378 = arith.constant 5 : i32
      %dma_wait3A_379 = tpu.memref_slice %arg2[%dma_wait3A_378, %mul3A_2] : memref<200x4096xi32, #tpu.memory_space<hbm>> -> memref<5x128xi32, #tpu.memory_space<hbm>>
      tpu.wait_dma2 semaphore(%run_scoped3A_355 : memref<!tpu.dma_semaphore, #tpu.memory_space<semaphore_mem>>) src(%dma_wait3A_379 : memref<5x128xi32, #tpu.memory_space<hbm>>) dst(%dma_wait3A_377 : memref<5x128xi32, #tpu.memory_space<vmem>>)
      tpu.yield
    }) : () -> ()
    %dma_start3A_73 = arith.constant 1 : i32
    %dma_start3A_74 = arith.constant 0 : i32
    %dma_start3A_75 = arith.constant 1 : i32
    %dma_start3A_76 = arith.constant 0 : i32
    %dma_start3A_77 = arith.constant 0 : i32
    %dma_start3A_78 = arith.constant 0 : i32
    %dma_start3A_79 = tpu.memref_slice %arg6[%dma_start3A_75, %dma_start3A_76, %dma_start3A_77, %dma_start3A_78] : memref<2x5x128x64xf32, #tpu.memory_space<vmem>> -> memref<1x1x128x64xf32, #tpu.memory_space<vmem>>
    %dma_start3A_80 = tpu.memref_squeeze %dma_start3A_79 : memref<1x1x128x64xf32, #tpu.memory_space<vmem>> -> memref<128x64xf32, #tpu.memory_space<vmem>>
    %dma_start3A_81 = arith.constant 0 : i32
    %dma_start3A_82 = tpu.memref_slice %arg5[%dma_start3A_73, %dma_start3A_74, %dma_start3A_81] : memref<2x5x128xi32, #tpu.memory_space<vmem>> -> memref<1x1x128xi32, #tpu.memory_space<vmem>>
    %dma_start3A_83 = tpu.memref_squeeze %dma_start3A_82 : memref<1x1x128xi32, #tpu.memory_space<vmem>> -> memref<128xi32, #tpu.memory_space<vmem>>
    %dma_start3A_84 = arith.constant 0 : i32
    %dma_start3A_85 = arith.constant 0 : i32
    %dma_start3A_86 = tpu.memref_slice %arg3[%dma_start3A_84, %dma_start3A_85] : memref<1000000x64xf32, #tpu.memory_space<hbm>> -> memref<1000000x64xf32, #tpu.memory_space<hbm>>
    tpu.enqueue_indirect_dma source(%dma_start3A_86 : memref<1000000x64xf32, #tpu.memory_space<hbm>>) target(%dma_start3A_80 : memref<128x64xf32, #tpu.memory_space<vmem>>) offsets(%dma_start3A_83 : memref<128xi32, #tpu.memory_space<vmem>>) semaphore(%arg8 : memref<!tpu.dma_semaphore, #tpu.memory_space<semaphore_mem>>)
    %dma_start3A_87 = arith.constant 1 : i32
    %dma_start3A_88 = arith.constant 1 : i32
    %dma_start3A_89 = arith.constant 1 : i32
    %dma_start3A_90 = arith.constant 1 : i32
    %dma_start3A_91 = arith.constant 0 : i32
    %dma_start3A_92 = arith.constant 0 : i32
    %dma_start3A_93 = tpu.memref_slice %arg6[%dma_start3A_89, %dma_start3A_90, %dma_start3A_91, %dma_start3A_92] : memref<2x5x128x64xf32, #tpu.memory_space<vmem>> -> memref<1x1x128x64xf32, #tpu.memory_space<vmem>>
    %dma_start3A_94 = tpu.memref_squeeze %dma_start3A_93 : memref<1x1x128x64xf32, #tpu.memory_space<vmem>> -> memref<128x64xf32, #tpu.memory_space<vmem>>
    %dma_start3A_95 = arith.constant 0 : i32
    %dma_start3A_96 = tpu.memref_slice %arg5[%dma_start3A_87, %dma_start3A_88, %dma_start3A_95] : memref<2x5x128xi32, #tpu.memory_space<vmem>> -> memref<1x1x128xi32, #tpu.memory_space<vmem>>
    %dma_start3A_97 = tpu.memref_squeeze %dma_start3A_96 : memref<1x1x128xi32, #tpu.memory_space<vmem>> -> memref<128xi32, #tpu.memory_space<vmem>>
    %dma_start3A_98 = arith.constant 0 : i32
    %dma_start3A_99 = arith.constant 0 : i32
    %dma_start3A_100 = tpu.memref_slice %arg3[%dma_start3A_98, %dma_start3A_99] : memref<1000000x64xf32, #tpu.memory_space<hbm>> -> memref<1000000x64xf32, #tpu.memory_space<hbm>>
    tpu.enqueue_indirect_dma source(%dma_start3A_100 : memref<1000000x64xf32, #tpu.memory_space<hbm>>) target(%dma_start3A_94 : memref<128x64xf32, #tpu.memory_space<vmem>>) offsets(%dma_start3A_97 : memref<128xi32, #tpu.memory_space<vmem>>) semaphore(%arg8 : memref<!tpu.dma_semaphore, #tpu.memory_space<semaphore_mem>>)
    %dma_start3A_101 = arith.constant 1 : i32
    %dma_start3A_102 = arith.constant 2 : i32
    %dma_start3A_103 = arith.constant 1 : i32
    %dma_start3A_104 = arith.constant 2 : i32
    %dma_start3A_105 = arith.constant 0 : i32
    %dma_start3A_106 = arith.constant 0 : i32
    %dma_start3A_107 = tpu.memref_slice %arg6[%dma_start3A_103, %dma_start3A_104, %dma_start3A_105, %dma_start3A_106] : memref<2x5x128x64xf32, #tpu.memory_space<vmem>> -> memref<1x1x128x64xf32, #tpu.memory_space<vmem>>
    %dma_start3A_108 = tpu.memref_squeeze %dma_start3A_107 : memref<1x1x128x64xf32, #tpu.memory_space<vmem>> -> memref<128x64xf32, #tpu.memory_space<vmem>>
    %dma_start3A_109 = arith.constant 0 : i32
    %dma_start3A_110 = tpu.memref_slice %arg5[%dma_start3A_101, %dma_start3A_102, %dma_start3A_109] : memref<2x5x128xi32, #tpu.memory_space<vmem>> -> memref<1x1x128xi32, #tpu.memory_space<vmem>>
    %dma_start3A_111 = tpu.memref_squeeze %dma_start3A_110 : memref<1x1x128xi32, #tpu.memory_space<vmem>> -> memref<128xi32, #tpu.memory_space<vmem>>
    %dma_start3A_112 = arith.constant 0 : i32
    %dma_start3A_113 = arith.constant 0 : i32
    %dma_start3A_114 = tpu.memref_slice %arg3[%dma_start3A_112, %dma_start3A_113] : memref<1000000x64xf32, #tpu.memory_space<hbm>> -> memref<1000000x64xf32, #tpu.memory_space<hbm>>
    tpu.enqueue_indirect_dma source(%dma_start3A_114 : memref<1000000x64xf32, #tpu.memory_space<hbm>>) target(%dma_start3A_108 : memref<128x64xf32, #tpu.memory_space<vmem>>) offsets(%dma_start3A_111 : memref<128xi32, #tpu.memory_space<vmem>>) semaphore(%arg8 : memref<!tpu.dma_semaphore, #tpu.memory_space<semaphore_mem>>)
    %dma_start3A_115 = arith.constant 1 : i32
    %dma_start3A_116 = arith.constant 3 : i32
    %dma_start3A_117 = arith.constant 1 : i32
    %dma_start3A_118 = arith.constant 3 : i32
    %dma_start3A_119 = arith.constant 0 : i32
    %dma_start3A_120 = arith.constant 0 : i32
    %dma_start3A_121 = tpu.memref_slice %arg6[%dma_start3A_117, %dma_start3A_118, %dma_start3A_119, %dma_start3A_120] : memref<2x5x128x64xf32, #tpu.memory_space<vmem>> -> memref<1x1x128x64xf32, #tpu.memory_space<vmem>>
    %dma_start3A_122 = tpu.memref_squeeze %dma_start3A_121 : memref<1x1x128x64xf32, #tpu.memory_space<vmem>> -> memref<128x64xf32, #tpu.memory_space<vmem>>
    %dma_start3A_123 = arith.constant 0 : i32
    %dma_start3A_124 = tpu.memref_slice %arg5[%dma_start3A_115, %dma_start3A_116, %dma_start3A_123] : memref<2x5x128xi32, #tpu.memory_space<vmem>> -> memref<1x1x128xi32, #tpu.memory_space<vmem>>
    %dma_start3A_125 = tpu.memref_squeeze %dma_start3A_124 : memref<1x1x128xi32, #tpu.memory_space<vmem>> -> memref<128xi32, #tpu.memory_space<vmem>>
    %dma_start3A_126 = arith.constant 0 : i32
    %dma_start3A_127 = arith.constant 0 : i32
    %dma_start3A_128 = tpu.memref_slice %arg3[%dma_start3A_126, %dma_start3A_127] : memref<1000000x64xf32, #tpu.memory_space<hbm>> -> memref<1000000x64xf32, #tpu.memory_space<hbm>>
    tpu.enqueue_indirect_dma source(%dma_start3A_128 : memref<1000000x64xf32, #tpu.memory_space<hbm>>) target(%dma_start3A_122 : memref<128x64xf32, #tpu.memory_space<vmem>>) offsets(%dma_start3A_125 : memref<128xi32, #tpu.memory_space<vmem>>) semaphore(%arg8 : memref<!tpu.dma_semaphore, #tpu.memory_space<semaphore_mem>>)
    %dma_start3A_129 = arith.constant 1 : i32
    %dma_start3A_130 = arith.constant 4 : i32
    %dma_start3A_131 = arith.constant 1 : i32
    %dma_start3A_132 = arith.constant 4 : i32
    %dma_start3A_133 = arith.constant 0 : i32
    %dma_start3A_134 = arith.constant 0 : i32
    %dma_start3A_135 = tpu.memref_slice %arg6[%dma_start3A_131, %dma_start3A_132, %dma_start3A_133, %dma_start3A_134] : memref<2x5x128x64xf32, #tpu.memory_space<vmem>> -> memref<1x1x128x64xf32, #tpu.memory_space<vmem>>
    %dma_start3A_136 = tpu.memref_squeeze %dma_start3A_135 : memref<1x1x128x64xf32, #tpu.memory_space<vmem>> -> memref<128x64xf32, #tpu.memory_space<vmem>>
    %dma_start3A_137 = arith.constant 0 : i32
    %dma_start3A_138 = tpu.memref_slice %arg5[%dma_start3A_129, %dma_start3A_130, %dma_start3A_137] : memref<2x5x128xi32, #tpu.memory_space<vmem>> -> memref<1x1x128xi32, #tpu.memory_space<vmem>>
    %dma_start3A_139 = tpu.memref_squeeze %dma_start3A_138 : memref<1x1x128xi32, #tpu.memory_space<vmem>> -> memref<128xi32, #tpu.memory_space<vmem>>
    %dma_start3A_140 = arith.constant 0 : i32
    %dma_start3A_141 = arith.constant 0 : i32
    %dma_start3A_142 = tpu.memref_slice %arg3[%dma_start3A_140, %dma_start3A_141] : memref<1000000x64xf32, #tpu.memory_space<hbm>> -> memref<1000000x64xf32, #tpu.memory_space<hbm>>
    tpu.enqueue_indirect_dma source(%dma_start3A_142 : memref<1000000x64xf32, #tpu.memory_space<hbm>>) target(%dma_start3A_136 : memref<128x64xf32, #tpu.memory_space<vmem>>) offsets(%dma_start3A_139 : memref<128xi32, #tpu.memory_space<vmem>>) semaphore(%arg8 : memref<!tpu.dma_semaphore, #tpu.memory_space<semaphore_mem>>)
    %scan3A = arith.constant 0 : i32
    %scan3A_143 = arith.constant 0 : i32
    %scan3A_144 = arith.constant 19 : i32
    %scan3A_145 = arith.addi %scan3A_143, %scan3A_144 : i32
    %scan3A_146 = arith.constant 1 : i32
    scf.for %scan3A_355 = %scan3A_143 to %scan3A_145 step %scan3A_146  : i32 {
      %mul3A_356 = arith.constant 2 : i32
      %mul3A_357 = arith.muli %mul3A_356, %scan3A_355 : i32
      %dma_wait3A_358 = arith.constant 0 : i32
      %dma_wait3A_359 = arith.constant 0 : i32
      %dma_wait3A_360 = arith.constant 0 : i32
      %dma_wait3A_361 = arith.constant 0 : i32
      %dma_wait3A_362 = arith.constant 0 : i32
      %dma_wait3A_363 = arith.constant 0 : i32
      %dma_wait3A_364 = tpu.memref_slice %arg6[%dma_wait3A_360, %dma_wait3A_361, %dma_wait3A_362, %dma_wait3A_363] : memref<2x5x128x64xf32, #tpu.memory_space<vmem>> -> memref<1x1x128x64xf32, #tpu.memory_space<vmem>>
      %dma_wait3A_365 = tpu.memref_squeeze %dma_wait3A_364 : memref<1x1x128x64xf32, #tpu.memory_space<vmem>> -> memref<128x64xf32, #tpu.memory_space<vmem>>
      %dma_wait3A_366 = arith.constant 0 : i32
      %dma_wait3A_367 = tpu.memref_slice %arg5[%dma_wait3A_358, %dma_wait3A_359, %dma_wait3A_366] : memref<2x5x128xi32, #tpu.memory_space<vmem>> -> memref<1x1x128xi32, #tpu.memory_space<vmem>>
      %dma_wait3A_368 = tpu.memref_squeeze %dma_wait3A_367 : memref<1x1x128xi32, #tpu.memory_space<vmem>> -> memref<128xi32, #tpu.memory_space<vmem>>
      %dma_wait3A_369 = arith.constant 0 : i32
      %dma_wait3A_370 = arith.constant 0 : i32
      %dma_wait3A_371 = tpu.memref_slice %arg3[%dma_wait3A_369, %dma_wait3A_370] : memref<1000000x64xf32, #tpu.memory_space<hbm>> -> memref<1000000x64xf32, #tpu.memory_space<hbm>>
      tpu.wait_indirect_dma semaphore(%arg7 : memref<!tpu.dma_semaphore, #tpu.memory_space<semaphore_mem>>) src(%dma_wait3A_371 : memref<1000000x64xf32, #tpu.memory_space<hbm>>) dst(%dma_wait3A_365 : memref<128x64xf32, #tpu.memory_space<vmem>>)
      %dma_wait3A_372 = arith.constant 0 : i32
      %dma_wait3A_373 = arith.constant 1 : i32
      %dma_wait3A_374 = arith.constant 0 : i32
      %dma_wait3A_375 = arith.constant 1 : i32
      %dma_wait3A_376 = arith.constant 0 : i32
      %dma_wait3A_377 = arith.constant 0 : i32
      %dma_wait3A_378 = tpu.memref_slice %arg6[%dma_wait3A_374, %dma_wait3A_375, %dma_wait3A_376, %dma_wait3A_377] : memref<2x5x128x64xf32, #tpu.memory_space<vmem>> -> memref<1x1x128x64xf32, #tpu.memory_space<vmem>>
      %dma_wait3A_379 = tpu.memref_squeeze %dma_wait3A_378 : memref<1x1x128x64xf32, #tpu.memory_space<vmem>> -> memref<128x64xf32, #tpu.memory_space<vmem>>
      %dma_wait3A_380 = arith.constant 0 : i32
      %dma_wait3A_381 = tpu.memref_slice %arg5[%dma_wait3A_372, %dma_wait3A_373, %dma_wait3A_380] : memref<2x5x128xi32, #tpu.memory_space<vmem>> -> memref<1x1x128xi32, #tpu.memory_space<vmem>>
      %dma_wait3A_382 = tpu.memref_squeeze %dma_wait3A_381 : memref<1x1x128xi32, #tpu.memory_space<vmem>> -> memref<128xi32, #tpu.memory_space<vmem>>
      %dma_wait3A_383 = arith.constant 0 : i32
      %dma_wait3A_384 = arith.constant 0 : i32
      %dma_wait3A_385 = tpu.memref_slice %arg3[%dma_wait3A_383, %dma_wait3A_384] : memref<1000000x64xf32, #tpu.memory_space<hbm>> -> memref<1000000x64xf32, #tpu.memory_space<hbm>>
      tpu.wait_indirect_dma semaphore(%arg7 : memref<!tpu.dma_semaphore, #tpu.memory_space<semaphore_mem>>) src(%dma_wait3A_385 : memref<1000000x64xf32, #tpu.memory_space<hbm>>) dst(%dma_wait3A_379 : memref<128x64xf32, #tpu.memory_space<vmem>>)
      %dma_wait3A_386 = arith.constant 0 : i32
      %dma_wait3A_387 = arith.constant 2 : i32
      %dma_wait3A_388 = arith.constant 0 : i32
      %dma_wait3A_389 = arith.constant 2 : i32
      %dma_wait3A_390 = arith.constant 0 : i32
      %dma_wait3A_391 = arith.constant 0 : i32
      %dma_wait3A_392 = tpu.memref_slice %arg6[%dma_wait3A_388, %dma_wait3A_389, %dma_wait3A_390, %dma_wait3A_391] : memref<2x5x128x64xf32, #tpu.memory_space<vmem>> -> memref<1x1x128x64xf32, #tpu.memory_space<vmem>>
      %dma_wait3A_393 = tpu.memref_squeeze %dma_wait3A_392 : memref<1x1x128x64xf32, #tpu.memory_space<vmem>> -> memref<128x64xf32, #tpu.memory_space<vmem>>
      %dma_wait3A_394 = arith.constant 0 : i32
      %dma_wait3A_395 = tpu.memref_slice %arg5[%dma_wait3A_386, %dma_wait3A_387, %dma_wait3A_394] : memref<2x5x128xi32, #tpu.memory_space<vmem>> -> memref<1x1x128xi32, #tpu.memory_space<vmem>>
      %dma_wait3A_396 = tpu.memref_squeeze %dma_wait3A_395 : memref<1x1x128xi32, #tpu.memory_space<vmem>> -> memref<128xi32, #tpu.memory_space<vmem>>
      %dma_wait3A_397 = arith.constant 0 : i32
      %dma_wait3A_398 = arith.constant 0 : i32
      %dma_wait3A_399 = tpu.memref_slice %arg3[%dma_wait3A_397, %dma_wait3A_398] : memref<1000000x64xf32, #tpu.memory_space<hbm>> -> memref<1000000x64xf32, #tpu.memory_space<hbm>>
      tpu.wait_indirect_dma semaphore(%arg7 : memref<!tpu.dma_semaphore, #tpu.memory_space<semaphore_mem>>) src(%dma_wait3A_399 : memref<1000000x64xf32, #tpu.memory_space<hbm>>) dst(%dma_wait3A_393 : memref<128x64xf32, #tpu.memory_space<vmem>>)
      %dma_wait3A_400 = arith.constant 0 : i32
      %dma_wait3A_401 = arith.constant 3 : i32
      %dma_wait3A_402 = arith.constant 0 : i32
      %dma_wait3A_403 = arith.constant 3 : i32
      %dma_wait3A_404 = arith.constant 0 : i32
      %dma_wait3A_405 = arith.constant 0 : i32
      %dma_wait3A_406 = tpu.memref_slice %arg6[%dma_wait3A_402, %dma_wait3A_403, %dma_wait3A_404, %dma_wait3A_405] : memref<2x5x128x64xf32, #tpu.memory_space<vmem>> -> memref<1x1x128x64xf32, #tpu.memory_space<vmem>>
      %dma_wait3A_407 = tpu.memref_squeeze %dma_wait3A_406 : memref<1x1x128x64xf32, #tpu.memory_space<vmem>> -> memref<128x64xf32, #tpu.memory_space<vmem>>
      %dma_wait3A_408 = arith.constant 0 : i32
      %dma_wait3A_409 = tpu.memref_slice %arg5[%dma_wait3A_400, %dma_wait3A_401, %dma_wait3A_408] : memref<2x5x128xi32, #tpu.memory_space<vmem>> -> memref<1x1x128xi32, #tpu.memory_space<vmem>>
      %dma_wait3A_410 = tpu.memref_squeeze %dma_wait3A_409 : memref<1x1x128xi32, #tpu.memory_space<vmem>> -> memref<128xi32, #tpu.memory_space<vmem>>
      %dma_wait3A_411 = arith.constant 0 : i32
      %dma_wait3A_412 = arith.constant 0 : i32
      %dma_wait3A_413 = tpu.memref_slice %arg3[%dma_wait3A_411, %dma_wait3A_412] : memref<1000000x64xf32, #tpu.memory_space<hbm>> -> memref<1000000x64xf32, #tpu.memory_space<hbm>>
      tpu.wait_indirect_dma semaphore(%arg7 : memref<!tpu.dma_semaphore, #tpu.memory_space<semaphore_mem>>) src(%dma_wait3A_413 : memref<1000000x64xf32, #tpu.memory_space<hbm>>) dst(%dma_wait3A_407 : memref<128x64xf32, #tpu.memory_space<vmem>>)
      %dma_wait3A_414 = arith.constant 0 : i32
      %dma_wait3A_415 = arith.constant 4 : i32
      %dma_wait3A_416 = arith.constant 0 : i32
      %dma_wait3A_417 = arith.constant 4 : i32
      %dma_wait3A_418 = arith.constant 0 : i32
      %dma_wait3A_419 = arith.constant 0 : i32
      %dma_wait3A_420 = tpu.memref_slice %arg6[%dma_wait3A_416, %dma_wait3A_417, %dma_wait3A_418, %dma_wait3A_419] : memref<2x5x128x64xf32, #tpu.memory_space<vmem>> -> memref<1x1x128x64xf32, #tpu.memory_space<vmem>>
      %dma_wait3A_421 = tpu.memref_squeeze %dma_wait3A_420 : memref<1x1x128x64xf32, #tpu.memory_space<vmem>> -> memref<128x64xf32, #tpu.memory_space<vmem>>
      %dma_wait3A_422 = arith.constant 0 : i32
      %dma_wait3A_423 = tpu.memref_slice %arg5[%dma_wait3A_414, %dma_wait3A_415, %dma_wait3A_422] : memref<2x5x128xi32, #tpu.memory_space<vmem>> -> memref<1x1x128xi32, #tpu.memory_space<vmem>>
      %dma_wait3A_424 = tpu.memref_squeeze %dma_wait3A_423 : memref<1x1x128xi32, #tpu.memory_space<vmem>> -> memref<128xi32, #tpu.memory_space<vmem>>
      %dma_wait3A_425 = arith.constant 0 : i32
      %dma_wait3A_426 = arith.constant 0 : i32
      %dma_wait3A_427 = tpu.memref_slice %arg3[%dma_wait3A_425, %dma_wait3A_426] : memref<1000000x64xf32, #tpu.memory_space<hbm>> -> memref<1000000x64xf32, #tpu.memory_space<hbm>>
      tpu.wait_indirect_dma semaphore(%arg7 : memref<!tpu.dma_semaphore, #tpu.memory_space<semaphore_mem>>) src(%dma_wait3A_427 : memref<1000000x64xf32, #tpu.memory_space<hbm>>) dst(%dma_wait3A_421 : memref<128x64xf32, #tpu.memory_space<vmem>>)
      %mul3A_428 = arith.constant 5 : i32
      %mul3A_429 = arith.muli %mul3A_357, %mul3A_428 : i32
      %dma_start3A_430 = arith.constant 0 : i32
      %dma_start3A_431 = arith.constant 0 : i32
      %dma_start3A_432 = arith.constant 0 : i32
      %dma_start3A_433 = arith.constant 0 : i32
      %dma_start3A_434 = tpu.memref_slice %arg6[%dma_start3A_430, %dma_start3A_431, %dma_start3A_432, %dma_start3A_433] : memref<2x5x128x64xf32, #tpu.memory_space<vmem>> -> memref<1x5x128x64xf32, #tpu.memory_space<vmem>>
      %dma_start3A_435 = tpu.memref_squeeze %dma_start3A_434 : memref<1x5x128x64xf32, #tpu.memory_space<vmem>> -> memref<5x128x64xf32, #tpu.memory_space<vmem>>
      %dma_start3A_436 = arith.constant 0 : i32
      %dma_start3A_437 = tpu.memref_slice %arg4[%mul3A_429, %mul3A_2, %dma_start3A_436] : memref<200x4096x64xf32, #tpu.memory_space<hbm>> -> memref<5x128x64xf32, #tpu.memory_space<hbm>>
      %dma_start3A_438 = arith.constant 0 : i32
      %dma_start3A_439 = tpu.memref_slice %arg4[%mul3A_429, %mul3A_2, %dma_start3A_438] : memref<200x4096x64xf32, #tpu.memory_space<hbm>> -> memref<5x128x64xf32, #tpu.memory_space<hbm>>
      %dma_start3A_440 = arith.constant 0 : i32
      %dma_start3A_441 = arith.constant 0 : i32
      %dma_start3A_442 = arith.constant 0 : i32
      %dma_start3A_443 = tpu.memref_slice %arg6[%dma_start3A_430, %dma_start3A_440, %dma_start3A_441, %dma_start3A_442] : memref<2x5x128x64xf32, #tpu.memory_space<vmem>> -> memref<1x5x128x64xf32, #tpu.memory_space<vmem>>
      %dma_start3A_444 = tpu.memref_squeeze %dma_start3A_443 : memref<1x5x128x64xf32, #tpu.memory_space<vmem>> -> memref<5x128x64xf32, #tpu.memory_space<vmem>>
      tpu.enqueue_dma source(%dma_start3A_444 : memref<5x128x64xf32, #tpu.memory_space<vmem>>) target(%dma_start3A_439 : memref<5x128x64xf32, #tpu.memory_space<hbm>>) target_semaphore(%arg9 : memref<!tpu.dma_semaphore, #tpu.memory_space<semaphore_mem>>)
      %dma_wait3A_445 = arith.constant 1 : i32
      %dma_wait3A_446 = arith.constant 0 : i32
      %dma_wait3A_447 = arith.constant 1 : i32
      %dma_wait3A_448 = arith.constant 0 : i32
      %dma_wait3A_449 = arith.constant 0 : i32
      %dma_wait3A_450 = arith.constant 0 : i32
      %dma_wait3A_451 = tpu.memref_slice %arg6[%dma_wait3A_447, %dma_wait3A_448, %dma_wait3A_449, %dma_wait3A_450] : memref<2x5x128x64xf32, #tpu.memory_space<vmem>> -> memref<1x1x128x64xf32, #tpu.memory_space<vmem>>
      %dma_wait3A_452 = tpu.memref_squeeze %dma_wait3A_451 : memref<1x1x128x64xf32, #tpu.memory_space<vmem>> -> memref<128x64xf32, #tpu.memory_space<vmem>>
      %dma_wait3A_453 = arith.constant 0 : i32
      %dma_wait3A_454 = tpu.memref_slice %arg5[%dma_wait3A_445, %dma_wait3A_446, %dma_wait3A_453] : memref<2x5x128xi32, #tpu.memory_space<vmem>> -> memref<1x1x128xi32, #tpu.memory_space<vmem>>
      %dma_wait3A_455 = tpu.memref_squeeze %dma_wait3A_454 : memref<1x1x128xi32, #tpu.memory_space<vmem>> -> memref<128xi32, #tpu.memory_space<vmem>>
      %dma_wait3A_456 = arith.constant 0 : i32
      %dma_wait3A_457 = arith.constant 0 : i32
      %dma_wait3A_458 = tpu.memref_slice %arg3[%dma_wait3A_456, %dma_wait3A_457] : memref<1000000x64xf32, #tpu.memory_space<hbm>> -> memref<1000000x64xf32, #tpu.memory_space<hbm>>
      tpu.wait_indirect_dma semaphore(%arg8 : memref<!tpu.dma_semaphore, #tpu.memory_space<semaphore_mem>>) src(%dma_wait3A_458 : memref<1000000x64xf32, #tpu.memory_space<hbm>>) dst(%dma_wait3A_452 : memref<128x64xf32, #tpu.memory_space<vmem>>)
      %dma_wait3A_459 = arith.constant 1 : i32
      %dma_wait3A_460 = arith.constant 1 : i32
      %dma_wait3A_461 = arith.constant 1 : i32
      %dma_wait3A_462 = arith.constant 1 : i32
      %dma_wait3A_463 = arith.constant 0 : i32
      %dma_wait3A_464 = arith.constant 0 : i32
      %dma_wait3A_465 = tpu.memref_slice %arg6[%dma_wait3A_461, %dma_wait3A_462, %dma_wait3A_463, %dma_wait3A_464] : memref<2x5x128x64xf32, #tpu.memory_space<vmem>> -> memref<1x1x128x64xf32, #tpu.memory_space<vmem>>
      %dma_wait3A_466 = tpu.memref_squeeze %dma_wait3A_465 : memref<1x1x128x64xf32, #tpu.memory_space<vmem>> -> memref<128x64xf32, #tpu.memory_space<vmem>>
      %dma_wait3A_467 = arith.constant 0 : i32
      %dma_wait3A_468 = tpu.memref_slice %arg5[%dma_wait3A_459, %dma_wait3A_460, %dma_wait3A_467] : memref<2x5x128xi32, #tpu.memory_space<vmem>> -> memref<1x1x128xi32, #tpu.memory_space<vmem>>
      %dma_wait3A_469 = tpu.memref_squeeze %dma_wait3A_468 : memref<1x1x128xi32, #tpu.memory_space<vmem>> -> memref<128xi32, #tpu.memory_space<vmem>>
      %dma_wait3A_470 = arith.constant 0 : i32
      %dma_wait3A_471 = arith.constant 0 : i32
      %dma_wait3A_472 = tpu.memref_slice %arg3[%dma_wait3A_470, %dma_wait3A_471] : memref<1000000x64xf32, #tpu.memory_space<hbm>> -> memref<1000000x64xf32, #tpu.memory_space<hbm>>
      tpu.wait_indirect_dma semaphore(%arg8 : memref<!tpu.dma_semaphore, #tpu.memory_space<semaphore_mem>>) src(%dma_wait3A_472 : memref<1000000x64xf32, #tpu.memory_space<hbm>>) dst(%dma_wait3A_466 : memref<128x64xf32, #tpu.memory_space<vmem>>)
      %dma_wait3A_473 = arith.constant 1 : i32
      %dma_wait3A_474 = arith.constant 2 : i32
      %dma_wait3A_475 = arith.constant 1 : i32
      %dma_wait3A_476 = arith.constant 2 : i32
      %dma_wait3A_477 = arith.constant 0 : i32
      %dma_wait3A_478 = arith.constant 0 : i32
      %dma_wait3A_479 = tpu.memref_slice %arg6[%dma_wait3A_475, %dma_wait3A_476, %dma_wait3A_477, %dma_wait3A_478] : memref<2x5x128x64xf32, #tpu.memory_space<vmem>> -> memref<1x1x128x64xf32, #tpu.memory_space<vmem>>
      %dma_wait3A_480 = tpu.memref_squeeze %dma_wait3A_479 : memref<1x1x128x64xf32, #tpu.memory_space<vmem>> -> memref<128x64xf32, #tpu.memory_space<vmem>>
      %dma_wait3A_481 = arith.constant 0 : i32
      %dma_wait3A_482 = tpu.memref_slice %arg5[%dma_wait3A_473, %dma_wait3A_474, %dma_wait3A_481] : memref<2x5x128xi32, #tpu.memory_space<vmem>> -> memref<1x1x128xi32, #tpu.memory_space<vmem>>
      %dma_wait3A_483 = tpu.memref_squeeze %dma_wait3A_482 : memref<1x1x128xi32, #tpu.memory_space<vmem>> -> memref<128xi32, #tpu.memory_space<vmem>>
      %dma_wait3A_484 = arith.constant 0 : i32
      %dma_wait3A_485 = arith.constant 0 : i32
      %dma_wait3A_486 = tpu.memref_slice %arg3[%dma_wait3A_484, %dma_wait3A_485] : memref<1000000x64xf32, #tpu.memory_space<hbm>> -> memref<1000000x64xf32, #tpu.memory_space<hbm>>
      tpu.wait_indirect_dma semaphore(%arg8 : memref<!tpu.dma_semaphore, #tpu.memory_space<semaphore_mem>>) src(%dma_wait3A_486 : memref<1000000x64xf32, #tpu.memory_space<hbm>>) dst(%dma_wait3A_480 : memref<128x64xf32, #tpu.memory_space<vmem>>)
      %dma_wait3A_487 = arith.constant 1 : i32
      %dma_wait3A_488 = arith.constant 3 : i32
      %dma_wait3A_489 = arith.constant 1 : i32
      %dma_wait3A_490 = arith.constant 3 : i32
      %dma_wait3A_491 = arith.constant 0 : i32
      %dma_wait3A_492 = arith.constant 0 : i32
      %dma_wait3A_493 = tpu.memref_slice %arg6[%dma_wait3A_489, %dma_wait3A_490, %dma_wait3A_491, %dma_wait3A_492] : memref<2x5x128x64xf32, #tpu.memory_space<vmem>> -> memref<1x1x128x64xf32, #tpu.memory_space<vmem>>
      %dma_wait3A_494 = tpu.memref_squeeze %dma_wait3A_493 : memref<1x1x128x64xf32, #tpu.memory_space<vmem>> -> memref<128x64xf32, #tpu.memory_space<vmem>>
      %dma_wait3A_495 = arith.constant 0 : i32
      %dma_wait3A_496 = tpu.memref_slice %arg5[%dma_wait3A_487, %dma_wait3A_488, %dma_wait3A_495] : memref<2x5x128xi32, #tpu.memory_space<vmem>> -> memref<1x1x128xi32, #tpu.memory_space<vmem>>
      %dma_wait3A_497 = tpu.memref_squeeze %dma_wait3A_496 : memref<1x1x128xi32, #tpu.memory_space<vmem>> -> memref<128xi32, #tpu.memory_space<vmem>>
      %dma_wait3A_498 = arith.constant 0 : i32
      %dma_wait3A_499 = arith.constant 0 : i32
      %dma_wait3A_500 = tpu.memref_slice %arg3[%dma_wait3A_498, %dma_wait3A_499] : memref<1000000x64xf32, #tpu.memory_space<hbm>> -> memref<1000000x64xf32, #tpu.memory_space<hbm>>
      tpu.wait_indirect_dma semaphore(%arg8 : memref<!tpu.dma_semaphore, #tpu.memory_space<semaphore_mem>>) src(%dma_wait3A_500 : memref<1000000x64xf32, #tpu.memory_space<hbm>>) dst(%dma_wait3A_494 : memref<128x64xf32, #tpu.memory_space<vmem>>)
      %dma_wait3A_501 = arith.constant 1 : i32
      %dma_wait3A_502 = arith.constant 4 : i32
      %dma_wait3A_503 = arith.constant 1 : i32
      %dma_wait3A_504 = arith.constant 4 : i32
      %dma_wait3A_505 = arith.constant 0 : i32
      %dma_wait3A_506 = arith.constant 0 : i32
      %dma_wait3A_507 = tpu.memref_slice %arg6[%dma_wait3A_503, %dma_wait3A_504, %dma_wait3A_505, %dma_wait3A_506] : memref<2x5x128x64xf32, #tpu.memory_space<vmem>> -> memref<1x1x128x64xf32, #tpu.memory_space<vmem>>
      %dma_wait3A_508 = tpu.memref_squeeze %dma_wait3A_507 : memref<1x1x128x64xf32, #tpu.memory_space<vmem>> -> memref<128x64xf32, #tpu.memory_space<vmem>>
      %dma_wait3A_509 = arith.constant 0 : i32
      %dma_wait3A_510 = tpu.memref_slice %arg5[%dma_wait3A_501, %dma_wait3A_502, %dma_wait3A_509] : memref<2x5x128xi32, #tpu.memory_space<vmem>> -> memref<1x1x128xi32, #tpu.memory_space<vmem>>
      %dma_wait3A_511 = tpu.memref_squeeze %dma_wait3A_510 : memref<1x1x128xi32, #tpu.memory_space<vmem>> -> memref<128xi32, #tpu.memory_space<vmem>>
      %dma_wait3A_512 = arith.constant 0 : i32
      %dma_wait3A_513 = arith.constant 0 : i32
      %dma_wait3A_514 = tpu.memref_slice %arg3[%dma_wait3A_512, %dma_wait3A_513] : memref<1000000x64xf32, #tpu.memory_space<hbm>> -> memref<1000000x64xf32, #tpu.memory_space<hbm>>
      tpu.wait_indirect_dma semaphore(%arg8 : memref<!tpu.dma_semaphore, #tpu.memory_space<semaphore_mem>>) src(%dma_wait3A_514 : memref<1000000x64xf32, #tpu.memory_space<hbm>>) dst(%dma_wait3A_508 : memref<128x64xf32, #tpu.memory_space<vmem>>)
      %add3A_515 = arith.constant 1 : i32
      %add3A_516 = arith.addi %mul3A_357, %add3A_515 : i32
      %mul3A_517 = arith.constant 5 : i32
      %mul3A_518 = arith.muli %add3A_516, %mul3A_517 : i32
      %dma_start3A_519 = arith.constant 1 : i32
      %dma_start3A_520 = arith.constant 0 : i32
      %dma_start3A_521 = arith.constant 0 : i32
      %dma_start3A_522 = arith.constant 0 : i32
      %dma_start3A_523 = tpu.memref_slice %arg6[%dma_start3A_519, %dma_start3A_520, %dma_start3A_521, %dma_start3A_522] : memref<2x5x128x64xf32, #tpu.memory_space<vmem>> -> memref<1x5x128x64xf32, #tpu.memory_space<vmem>>
      %dma_start3A_524 = tpu.memref_squeeze %dma_start3A_523 : memref<1x5x128x64xf32, #tpu.memory_space<vmem>> -> memref<5x128x64xf32, #tpu.memory_space<vmem>>
      %dma_start3A_525 = arith.constant 0 : i32
      %dma_start3A_526 = tpu.memref_slice %arg4[%mul3A_518, %mul3A_2, %dma_start3A_525] : memref<200x4096x64xf32, #tpu.memory_space<hbm>> -> memref<5x128x64xf32, #tpu.memory_space<hbm>>
      %dma_start3A_527 = arith.constant 0 : i32
      %dma_start3A_528 = tpu.memref_slice %arg4[%mul3A_518, %mul3A_2, %dma_start3A_527] : memref<200x4096x64xf32, #tpu.memory_space<hbm>> -> memref<5x128x64xf32, #tpu.memory_space<hbm>>
      %dma_start3A_529 = arith.constant 0 : i32
      %dma_start3A_530 = arith.constant 0 : i32
      %dma_start3A_531 = arith.constant 0 : i32
      %dma_start3A_532 = tpu.memref_slice %arg6[%dma_start3A_519, %dma_start3A_529, %dma_start3A_530, %dma_start3A_531] : memref<2x5x128x64xf32, #tpu.memory_space<vmem>> -> memref<1x5x128x64xf32, #tpu.memory_space<vmem>>
      %dma_start3A_533 = tpu.memref_squeeze %dma_start3A_532 : memref<1x5x128x64xf32, #tpu.memory_space<vmem>> -> memref<5x128x64xf32, #tpu.memory_space<vmem>>
      tpu.enqueue_dma source(%dma_start3A_533 : memref<5x128x64xf32, #tpu.memory_space<vmem>>) target(%dma_start3A_528 : memref<5x128x64xf32, #tpu.memory_space<hbm>>) target_semaphore(%arg10 : memref<!tpu.dma_semaphore, #tpu.memory_space<semaphore_mem>>)
      %mul3A_534 = arith.constant 5 : i32
      %mul3A_535 = arith.muli %mul3A_357, %mul3A_534 : i32
      %dma_wait3A_536 = arith.constant 0 : i32
      %dma_wait3A_537 = arith.constant 0 : i32
      %dma_wait3A_538 = arith.constant 0 : i32
      %dma_wait3A_539 = arith.constant 0 : i32
      %dma_wait3A_540 = tpu.memref_slice %arg6[%dma_wait3A_536, %dma_wait3A_537, %dma_wait3A_538, %dma_wait3A_539] : memref<2x5x128x64xf32, #tpu.memory_space<vmem>> -> memref<1x5x128x64xf32, #tpu.memory_space<vmem>>
      %dma_wait3A_541 = tpu.memref_squeeze %dma_wait3A_540 : memref<1x5x128x64xf32, #tpu.memory_space<vmem>> -> memref<5x128x64xf32, #tpu.memory_space<vmem>>
      %dma_wait3A_542 = arith.constant 0 : i32
      %dma_wait3A_543 = tpu.memref_slice %arg4[%mul3A_535, %mul3A_2, %dma_wait3A_542] : memref<200x4096x64xf32, #tpu.memory_space<hbm>> -> memref<5x128x64xf32, #tpu.memory_space<hbm>>
      %dma_wait3A_544 = arith.constant 0 : i32
      %dma_wait3A_545 = tpu.memref_slice %arg4[%mul3A_535, %mul3A_2, %dma_wait3A_544] : memref<200x4096x64xf32, #tpu.memory_space<hbm>> -> memref<5x128x64xf32, #tpu.memory_space<hbm>>
      %dma_wait3A_546 = arith.constant 0 : i32
      %dma_wait3A_547 = arith.constant 0 : i32
      %dma_wait3A_548 = arith.constant 0 : i32
      %dma_wait3A_549 = tpu.memref_slice %arg6[%dma_wait3A_536, %dma_wait3A_546, %dma_wait3A_547, %dma_wait3A_548] : memref<2x5x128x64xf32, #tpu.memory_space<vmem>> -> memref<1x5x128x64xf32, #tpu.memory_space<vmem>>
      %dma_wait3A_550 = tpu.memref_squeeze %dma_wait3A_549 : memref<1x5x128x64xf32, #tpu.memory_space<vmem>> -> memref<5x128x64xf32, #tpu.memory_space<vmem>>
      tpu.wait_dma2 semaphore(%arg9 : memref<!tpu.dma_semaphore, #tpu.memory_space<semaphore_mem>>) src(%dma_wait3A_550 : memref<5x128x64xf32, #tpu.memory_space<vmem>>) dst(%dma_wait3A_545 : memref<5x128x64xf32, #tpu.memory_space<hbm>>)
      %add3A_551 = arith.constant 2 : i32
      %add3A_552 = arith.addi %mul3A_357, %add3A_551 : i32
      %mul3A_553 = arith.constant 5 : i32
      %mul3A_554 = arith.muli %add3A_552, %mul3A_553 : i32
      %run_scoped3A_555 = arith.constant 0 : i32
      "tpu.region"() ({
        %run_scoped3A_720 = tpu.sem_alloc : memref<!tpu.dma_semaphore, #tpu.memory_space<semaphore_mem>>
        %dma_start3A_721 = arith.constant 0 : i32
        %dma_start3A_722 = arith.constant 0 : i32
        %dma_start3A_723 = tpu.memref_slice %arg5[%run_scoped3A_555, %dma_start3A_721, %dma_start3A_722] : memref<2x5x128xi32, #tpu.memory_space<vmem>> -> memref<1x5x128xi32, #tpu.memory_space<vmem>>
        %dma_start3A_724 = tpu.memref_squeeze %dma_start3A_723 : memref<1x5x128xi32, #tpu.memory_space<vmem>> -> memref<5x128xi32, #tpu.memory_space<vmem>>
        %dma_start3A_725 = tpu.memref_slice %arg2[%mul3A_554, %mul3A_2] : memref<200x4096xi32, #tpu.memory_space<hbm>> -> memref<5x128xi32, #tpu.memory_space<hbm>>
        %dma_start3A_726 = arith.constant 0 : i32
        %dma_start3A_727 = arith.constant 0 : i32
        %dma_start3A_728 = tpu.memref_slice %arg5[%run_scoped3A_555, %dma_start3A_726, %dma_start3A_727] : memref<2x5x128xi32, #tpu.memory_space<vmem>> -> memref<1x5x128xi32, #tpu.memory_space<vmem>>
        %dma_start3A_729 = tpu.memref_squeeze %dma_start3A_728 : memref<1x5x128xi32, #tpu.memory_space<vmem>> -> memref<5x128xi32, #tpu.memory_space<vmem>>
        %dma_start3A_730 = tpu.memref_slice %arg2[%mul3A_554, %mul3A_2] : memref<200x4096xi32, #tpu.memory_space<hbm>> -> memref<5x128xi32, #tpu.memory_space<hbm>>
        tpu.enqueue_dma source(%dma_start3A_730 : memref<5x128xi32, #tpu.memory_space<hbm>>) target(%dma_start3A_729 : memref<5x128xi32, #tpu.memory_space<vmem>>) target_semaphore(%run_scoped3A_720 : memref<!tpu.dma_semaphore, #tpu.memory_space<semaphore_mem>>)
        %dma_wait3A_731 = arith.constant 0 : i32
        %dma_wait3A_732 = arith.constant 0 : i32
        %dma_wait3A_733 = tpu.memref_slice %arg5[%run_scoped3A_555, %dma_wait3A_731, %dma_wait3A_732] : memref<2x5x128xi32, #tpu.memory_space<vmem>> -> memref<1x5x128xi32, #tpu.memory_space<vmem>>
        %dma_wait3A_734 = tpu.memref_squeeze %dma_wait3A_733 : memref<1x5x128xi32, #tpu.memory_space<vmem>> -> memref<5x128xi32, #tpu.memory_space<vmem>>
        %dma_wait3A_735 = tpu.memref_slice %arg2[%mul3A_554, %mul3A_2] : memref<200x4096xi32, #tpu.memory_space<hbm>> -> memref<5x128xi32, #tpu.memory_space<hbm>>
        %dma_wait3A_736 = arith.constant 0 : i32
        %dma_wait3A_737 = arith.constant 0 : i32
        %dma_wait3A_738 = tpu.memref_slice %arg5[%run_scoped3A_555, %dma_wait3A_736, %dma_wait3A_737] : memref<2x5x128xi32, #tpu.memory_space<vmem>> -> memref<1x5x128xi32, #tpu.memory_space<vmem>>
        %dma_wait3A_739 = tpu.memref_squeeze %dma_wait3A_738 : memref<1x5x128xi32, #tpu.memory_space<vmem>> -> memref<5x128xi32, #tpu.memory_space<vmem>>
        %dma_wait3A_740 = tpu.memref_slice %arg2[%mul3A_554, %mul3A_2] : memref<200x4096xi32, #tpu.memory_space<hbm>> -> memref<5x128xi32, #tpu.memory_space<hbm>>
        tpu.wait_dma2 semaphore(%run_scoped3A_720 : memref<!tpu.dma_semaphore, #tpu.memory_space<semaphore_mem>>) src(%dma_wait3A_740 : memref<5x128xi32, #tpu.memory_space<hbm>>) dst(%dma_wait3A_739 : memref<5x128xi32, #tpu.memory_space<vmem>>)
        tpu.yield
      }) : () -> ()
      %dma_start3A_556 = arith.constant 0 : i32
      %dma_start3A_557 = arith.constant 0 : i32
      %dma_start3A_558 = arith.constant 0 : i32
      %dma_start3A_559 = arith.constant 0 : i32
      %dma_start3A_560 = arith.constant 0 : i32
      %dma_start3A_561 = arith.constant 0 : i32
      %dma_start3A_562 = tpu.memref_slice %arg6[%dma_start3A_558, %dma_start3A_559, %dma_start3A_560, %dma_start3A_561] : memref<2x5x128x64xf32, #tpu.memory_space<vmem>> -> memref<1x1x128x64xf32, #tpu.memory_space<vmem>>
      %dma_start3A_563 = tpu.memref_squeeze %dma_start3A_562 : memref<1x1x128x64xf32, #tpu.memory_space<vmem>> -> memref<128x64xf32, #tpu.memory_space<vmem>>
      %dma_start3A_564 = arith.constant 0 : i32
      %dma_start3A_565 = tpu.memref_slice %arg5[%dma_start3A_556, %dma_start3A_557, %dma_start3A_564] : memref<2x5x128xi32, #tpu.memory_space<vmem>> -> memref<1x1x128xi32, #tpu.memory_space<vmem>>
      %dma_start3A_566 = tpu.memref_squeeze %dma_start3A_565 : memref<1x1x128xi32, #tpu.memory_space<vmem>> -> memref<128xi32, #tpu.memory_space<vmem>>
      %dma_start3A_567 = arith.constant 0 : i32
      %dma_start3A_568 = arith.constant 0 : i32
      %dma_start3A_569 = tpu.memref_slice %arg3[%dma_start3A_567, %dma_start3A_568] : memref<1000000x64xf32, #tpu.memory_space<hbm>> -> memref<1000000x64xf32, #tpu.memory_space<hbm>>
      tpu.enqueue_indirect_dma source(%dma_start3A_569 : memref<1000000x64xf32, #tpu.memory_space<hbm>>) target(%dma_start3A_563 : memref<128x64xf32, #tpu.memory_space<vmem>>) offsets(%dma_start3A_566 : memref<128xi32, #tpu.memory_space<vmem>>) semaphore(%arg7 : memref<!tpu.dma_semaphore, #tpu.memory_space<semaphore_mem>>)
      %dma_start3A_570 = arith.constant 0 : i32
      %dma_start3A_571 = arith.constant 1 : i32
      %dma_start3A_572 = arith.constant 0 : i32
      %dma_start3A_573 = arith.constant 1 : i32
      %dma_start3A_574 = arith.constant 0 : i32
      %dma_start3A_575 = arith.constant 0 : i32
      %dma_start3A_576 = tpu.memref_slice %arg6[%dma_start3A_572, %dma_start3A_573, %dma_start3A_574, %dma_start3A_575] : memref<2x5x128x64xf32, #tpu.memory_space<vmem>> -> memref<1x1x128x64xf32, #tpu.memory_space<vmem>>
      %dma_start3A_577 = tpu.memref_squeeze %dma_start3A_576 : memref<1x1x128x64xf32, #tpu.memory_space<vmem>> -> memref<128x64xf32, #tpu.memory_space<vmem>>
      %dma_start3A_578 = arith.constant 0 : i32
      %dma_start3A_579 = tpu.memref_slice %arg5[%dma_start3A_570, %dma_start3A_571, %dma_start3A_578] : memref<2x5x128xi32, #tpu.memory_space<vmem>> -> memref<1x1x128xi32, #tpu.memory_space<vmem>>
      %dma_start3A_580 = tpu.memref_squeeze %dma_start3A_579 : memref<1x1x128xi32, #tpu.memory_space<vmem>> -> memref<128xi32, #tpu.memory_space<vmem>>
      %dma_start3A_581 = arith.constant 0 : i32
      %dma_start3A_582 = arith.constant 0 : i32
      %dma_start3A_583 = tpu.memref_slice %arg3[%dma_start3A_581, %dma_start3A_582] : memref<1000000x64xf32, #tpu.memory_space<hbm>> -> memref<1000000x64xf32, #tpu.memory_space<hbm>>
      tpu.enqueue_indirect_dma source(%dma_start3A_583 : memref<1000000x64xf32, #tpu.memory_space<hbm>>) target(%dma_start3A_577 : memref<128x64xf32, #tpu.memory_space<vmem>>) offsets(%dma_start3A_580 : memref<128xi32, #tpu.memory_space<vmem>>) semaphore(%arg7 : memref<!tpu.dma_semaphore, #tpu.memory_space<semaphore_mem>>)
      %dma_start3A_584 = arith.constant 0 : i32
      %dma_start3A_585 = arith.constant 2 : i32
      %dma_start3A_586 = arith.constant 0 : i32
      %dma_start3A_587 = arith.constant 2 : i32
      %dma_start3A_588 = arith.constant 0 : i32
      %dma_start3A_589 = arith.constant 0 : i32
      %dma_start3A_590 = tpu.memref_slice %arg6[%dma_start3A_586, %dma_start3A_587, %dma_start3A_588, %dma_start3A_589] : memref<2x5x128x64xf32, #tpu.memory_space<vmem>> -> memref<1x1x128x64xf32, #tpu.memory_space<vmem>>
      %dma_start3A_591 = tpu.memref_squeeze %dma_start3A_590 : memref<1x1x128x64xf32, #tpu.memory_space<vmem>> -> memref<128x64xf32, #tpu.memory_space<vmem>>
      %dma_start3A_592 = arith.constant 0 : i32
      %dma_start3A_593 = tpu.memref_slice %arg5[%dma_start3A_584, %dma_start3A_585, %dma_start3A_592] : memref<2x5x128xi32, #tpu.memory_space<vmem>> -> memref<1x1x128xi32, #tpu.memory_space<vmem>>
      %dma_start3A_594 = tpu.memref_squeeze %dma_start3A_593 : memref<1x1x128xi32, #tpu.memory_space<vmem>> -> memref<128xi32, #tpu.memory_space<vmem>>
      %dma_start3A_595 = arith.constant 0 : i32
      %dma_start3A_596 = arith.constant 0 : i32
      %dma_start3A_597 = tpu.memref_slice %arg3[%dma_start3A_595, %dma_start3A_596] : memref<1000000x64xf32, #tpu.memory_space<hbm>> -> memref<1000000x64xf32, #tpu.memory_space<hbm>>
      tpu.enqueue_indirect_dma source(%dma_start3A_597 : memref<1000000x64xf32, #tpu.memory_space<hbm>>) target(%dma_start3A_591 : memref<128x64xf32, #tpu.memory_space<vmem>>) offsets(%dma_start3A_594 : memref<128xi32, #tpu.memory_space<vmem>>) semaphore(%arg7 : memref<!tpu.dma_semaphore, #tpu.memory_space<semaphore_mem>>)
      %dma_start3A_598 = arith.constant 0 : i32
      %dma_start3A_599 = arith.constant 3 : i32
      %dma_start3A_600 = arith.constant 0 : i32
      %dma_start3A_601 = arith.constant 3 : i32
      %dma_start3A_602 = arith.constant 0 : i32
      %dma_start3A_603 = arith.constant 0 : i32
      %dma_start3A_604 = tpu.memref_slice %arg6[%dma_start3A_600, %dma_start3A_601, %dma_start3A_602, %dma_start3A_603] : memref<2x5x128x64xf32, #tpu.memory_space<vmem>> -> memref<1x1x128x64xf32, #tpu.memory_space<vmem>>
      %dma_start3A_605 = tpu.memref_squeeze %dma_start3A_604 : memref<1x1x128x64xf32, #tpu.memory_space<vmem>> -> memref<128x64xf32, #tpu.memory_space<vmem>>
      %dma_start3A_606 = arith.constant 0 : i32
      %dma_start3A_607 = tpu.memref_slice %arg5[%dma_start3A_598, %dma_start3A_599, %dma_start3A_606] : memref<2x5x128xi32, #tpu.memory_space<vmem>> -> memref<1x1x128xi32, #tpu.memory_space<vmem>>
      %dma_start3A_608 = tpu.memref_squeeze %dma_start3A_607 : memref<1x1x128xi32, #tpu.memory_space<vmem>> -> memref<128xi32, #tpu.memory_space<vmem>>
      %dma_start3A_609 = arith.constant 0 : i32
      %dma_start3A_610 = arith.constant 0 : i32
      %dma_start3A_611 = tpu.memref_slice %arg3[%dma_start3A_609, %dma_start3A_610] : memref<1000000x64xf32, #tpu.memory_space<hbm>> -> memref<1000000x64xf32, #tpu.memory_space<hbm>>
      tpu.enqueue_indirect_dma source(%dma_start3A_611 : memref<1000000x64xf32, #tpu.memory_space<hbm>>) target(%dma_start3A_605 : memref<128x64xf32, #tpu.memory_space<vmem>>) offsets(%dma_start3A_608 : memref<128xi32, #tpu.memory_space<vmem>>) semaphore(%arg7 : memref<!tpu.dma_semaphore, #tpu.memory_space<semaphore_mem>>)
      %dma_start3A_612 = arith.constant 0 : i32
      %dma_start3A_613 = arith.constant 4 : i32
      %dma_start3A_614 = arith.constant 0 : i32
      %dma_start3A_615 = arith.constant 4 : i32
      %dma_start3A_616 = arith.constant 0 : i32
      %dma_start3A_617 = arith.constant 0 : i32
      %dma_start3A_618 = tpu.memref_slice %arg6[%dma_start3A_614, %dma_start3A_615, %dma_start3A_616, %dma_start3A_617] : memref<2x5x128x64xf32, #tpu.memory_space<vmem>> -> memref<1x1x128x64xf32, #tpu.memory_space<vmem>>
      %dma_start3A_619 = tpu.memref_squeeze %dma_start3A_618 : memref<1x1x128x64xf32, #tpu.memory_space<vmem>> -> memref<128x64xf32, #tpu.memory_space<vmem>>
      %dma_start3A_620 = arith.constant 0 : i32
      %dma_start3A_621 = tpu.memref_slice %arg5[%dma_start3A_612, %dma_start3A_613, %dma_start3A_620] : memref<2x5x128xi32, #tpu.memory_space<vmem>> -> memref<1x1x128xi32, #tpu.memory_space<vmem>>
      %dma_start3A_622 = tpu.memref_squeeze %dma_start3A_621 : memref<1x1x128xi32, #tpu.memory_space<vmem>> -> memref<128xi32, #tpu.memory_space<vmem>>
      %dma_start3A_623 = arith.constant 0 : i32
      %dma_start3A_624 = arith.constant 0 : i32
      %dma_start3A_625 = tpu.memref_slice %arg3[%dma_start3A_623, %dma_start3A_624] : memref<1000000x64xf32, #tpu.memory_space<hbm>> -> memref<1000000x64xf32, #tpu.memory_space<hbm>>
      tpu.enqueue_indirect_dma source(%dma_start3A_625 : memref<1000000x64xf32, #tpu.memory_space<hbm>>) target(%dma_start3A_619 : memref<128x64xf32, #tpu.memory_space<vmem>>) offsets(%dma_start3A_622 : memref<128xi32, #tpu.memory_space<vmem>>) semaphore(%arg7 : memref<!tpu.dma_semaphore, #tpu.memory_space<semaphore_mem>>)
      %add3A_626 = arith.constant 1 : i32
      %add3A_627 = arith.addi %mul3A_357, %add3A_626 : i32
      %mul3A_628 = arith.constant 5 : i32
      %mul3A_629 = arith.muli %add3A_627, %mul3A_628 : i32
      %dma_wait3A_630 = arith.constant 1 : i32
      %dma_wait3A_631 = arith.constant 0 : i32
      %dma_wait3A_632 = arith.constant 0 : i32
      %dma_wait3A_633 = arith.constant 0 : i32
      %dma_wait3A_634 = tpu.memref_slice %arg6[%dma_wait3A_630, %dma_wait3A_631, %dma_wait3A_632, %dma_wait3A_633] : memref<2x5x128x64xf32, #tpu.memory_space<vmem>> -> memref<1x5x128x64xf32, #tpu.memory_space<vmem>>
      %dma_wait3A_635 = tpu.memref_squeeze %dma_wait3A_634 : memref<1x5x128x64xf32, #tpu.memory_space<vmem>> -> memref<5x128x64xf32, #tpu.memory_space<vmem>>
      %dma_wait3A_636 = arith.constant 0 : i32
      %dma_wait3A_637 = tpu.memref_slice %arg4[%mul3A_629, %mul3A_2, %dma_wait3A_636] : memref<200x4096x64xf32, #tpu.memory_space<hbm>> -> memref<5x128x64xf32, #tpu.memory_space<hbm>>
      %dma_wait3A_638 = arith.constant 0 : i32
      %dma_wait3A_639 = tpu.memref_slice %arg4[%mul3A_629, %mul3A_2, %dma_wait3A_638] : memref<200x4096x64xf32, #tpu.memory_space<hbm>> -> memref<5x128x64xf32, #tpu.memory_space<hbm>>
      %dma_wait3A_640 = arith.constant 0 : i32
      %dma_wait3A_641 = arith.constant 0 : i32
      %dma_wait3A_642 = arith.constant 0 : i32
      %dma_wait3A_643 = tpu.memref_slice %arg6[%dma_wait3A_630, %dma_wait3A_640, %dma_wait3A_641, %dma_wait3A_642] : memref<2x5x128x64xf32, #tpu.memory_space<vmem>> -> memref<1x5x128x64xf32, #tpu.memory_space<vmem>>
      %dma_wait3A_644 = tpu.memref_squeeze %dma_wait3A_643 : memref<1x5x128x64xf32, #tpu.memory_space<vmem>> -> memref<5x128x64xf32, #tpu.memory_space<vmem>>
      tpu.wait_dma2 semaphore(%arg10 : memref<!tpu.dma_semaphore, #tpu.memory_space<semaphore_mem>>) src(%dma_wait3A_644 : memref<5x128x64xf32, #tpu.memory_space<vmem>>) dst(%dma_wait3A_639 : memref<5x128x64xf32, #tpu.memory_space<hbm>>)
      %add3A_645 = arith.constant 3 : i32
      %add3A_646 = arith.addi %mul3A_357, %add3A_645 : i32
      %mul3A_647 = arith.constant 5 : i32
      %mul3A_648 = arith.muli %add3A_646, %mul3A_647 : i32
      %run_scoped3A_649 = arith.constant 1 : i32
      "tpu.region"() ({
        %run_scoped3A_720 = tpu.sem_alloc : memref<!tpu.dma_semaphore, #tpu.memory_space<semaphore_mem>>
        %dma_start3A_721 = arith.constant 0 : i32
        %dma_start3A_722 = arith.constant 0 : i32
        %dma_start3A_723 = tpu.memref_slice %arg5[%run_scoped3A_649, %dma_start3A_721, %dma_start3A_722] : memref<2x5x128xi32, #tpu.memory_space<vmem>> -> memref<1x5x128xi32, #tpu.memory_space<vmem>>
        %dma_start3A_724 = tpu.memref_squeeze %dma_start3A_723 : memref<1x5x128xi32, #tpu.memory_space<vmem>> -> memref<5x128xi32, #tpu.memory_space<vmem>>
        %dma_start3A_725 = tpu.memref_slice %arg2[%mul3A_648, %mul3A_2] : memref<200x4096xi32, #tpu.memory_space<hbm>> -> memref<5x128xi32, #tpu.memory_space<hbm>>
        %dma_start3A_726 = arith.constant 0 : i32
        %dma_start3A_727 = arith.constant 0 : i32
        %dma_start3A_728 = tpu.memref_slice %arg5[%run_scoped3A_649, %dma_start3A_726, %dma_start3A_727] : memref<2x5x128xi32, #tpu.memory_space<vmem>> -> memref<1x5x128xi32, #tpu.memory_space<vmem>>
        %dma_start3A_729 = tpu.memref_squeeze %dma_start3A_728 : memref<1x5x128xi32, #tpu.memory_space<vmem>> -> memref<5x128xi32, #tpu.memory_space<vmem>>
        %dma_start3A_730 = tpu.memref_slice %arg2[%mul3A_648, %mul3A_2] : memref<200x4096xi32, #tpu.memory_space<hbm>> -> memref<5x128xi32, #tpu.memory_space<hbm>>
        tpu.enqueue_dma source(%dma_start3A_730 : memref<5x128xi32, #tpu.memory_space<hbm>>) target(%dma_start3A_729 : memref<5x128xi32, #tpu.memory_space<vmem>>) target_semaphore(%run_scoped3A_720 : memref<!tpu.dma_semaphore, #tpu.memory_space<semaphore_mem>>)
        %dma_wait3A_731 = arith.constant 0 : i32
        %dma_wait3A_732 = arith.constant 0 : i32
        %dma_wait3A_733 = tpu.memref_slice %arg5[%run_scoped3A_649, %dma_wait3A_731, %dma_wait3A_732] : memref<2x5x128xi32, #tpu.memory_space<vmem>> -> memref<1x5x128xi32, #tpu.memory_space<vmem>>
        %dma_wait3A_734 = tpu.memref_squeeze %dma_wait3A_733 : memref<1x5x128xi32, #tpu.memory_space<vmem>> -> memref<5x128xi32, #tpu.memory_space<vmem>>
        %dma_wait3A_735 = tpu.memref_slice %arg2[%mul3A_648, %mul3A_2] : memref<200x4096xi32, #tpu.memory_space<hbm>> -> memref<5x128xi32, #tpu.memory_space<hbm>>
        %dma_wait3A_736 = arith.constant 0 : i32
        %dma_wait3A_737 = arith.constant 0 : i32
        %dma_wait3A_738 = tpu.memref_slice %arg5[%run_scoped3A_649, %dma_wait3A_736, %dma_wait3A_737] : memref<2x5x128xi32, #tpu.memory_space<vmem>> -> memref<1x5x128xi32, #tpu.memory_space<vmem>>
        %dma_wait3A_739 = tpu.memref_squeeze %dma_wait3A_738 : memref<1x5x128xi32, #tpu.memory_space<vmem>> -> memref<5x128xi32, #tpu.memory_space<vmem>>
        %dma_wait3A_740 = tpu.memref_slice %arg2[%mul3A_648, %mul3A_2] : memref<200x4096xi32, #tpu.memory_space<hbm>> -> memref<5x128xi32, #tpu.memory_space<hbm>>
        tpu.wait_dma2 semaphore(%run_scoped3A_720 : memref<!tpu.dma_semaphore, #tpu.memory_space<semaphore_mem>>) src(%dma_wait3A_740 : memref<5x128xi32, #tpu.memory_space<hbm>>) dst(%dma_wait3A_739 : memref<5x128xi32, #tpu.memory_space<vmem>>)
        tpu.yield
      }) : () -> ()
      %dma_start3A_650 = arith.constant 1 : i32
      %dma_start3A_651 = arith.constant 0 : i32
      %dma_start3A_652 = arith.constant 1 : i32
      %dma_start3A_653 = arith.constant 0 : i32
      %dma_start3A_654 = arith.constant 0 : i32
      %dma_start3A_655 = arith.constant 0 : i32
      %dma_start3A_656 = tpu.memref_slice %arg6[%dma_start3A_652, %dma_start3A_653, %dma_start3A_654, %dma_start3A_655] : memref<2x5x128x64xf32, #tpu.memory_space<vmem>> -> memref<1x1x128x64xf32, #tpu.memory_space<vmem>>
      %dma_start3A_657 = tpu.memref_squeeze %dma_start3A_656 : memref<1x1x128x64xf32, #tpu.memory_space<vmem>> -> memref<128x64xf32, #tpu.memory_space<vmem>>
      %dma_start3A_658 = arith.constant 0 : i32
      %dma_start3A_659 = tpu.memref_slice %arg5[%dma_start3A_650, %dma_start3A_651, %dma_start3A_658] : memref<2x5x128xi32, #tpu.memory_space<vmem>> -> memref<1x1x128xi32, #tpu.memory_space<vmem>>
      %dma_start3A_660 = tpu.memref_squeeze %dma_start3A_659 : memref<1x1x128xi32, #tpu.memory_space<vmem>> -> memref<128xi32, #tpu.memory_space<vmem>>
      %dma_start3A_661 = arith.constant 0 : i32
      %dma_start3A_662 = arith.constant 0 : i32
      %dma_start3A_663 = tpu.memref_slice %arg3[%dma_start3A_661, %dma_start3A_662] : memref<1000000x64xf32, #tpu.memory_space<hbm>> -> memref<1000000x64xf32, #tpu.memory_space<hbm>>
      tpu.enqueue_indirect_dma source(%dma_start3A_663 : memref<1000000x64xf32, #tpu.memory_space<hbm>>) target(%dma_start3A_657 : memref<128x64xf32, #tpu.memory_space<vmem>>) offsets(%dma_start3A_660 : memref<128xi32, #tpu.memory_space<vmem>>) semaphore(%arg8 : memref<!tpu.dma_semaphore, #tpu.memory_space<semaphore_mem>>)
      %dma_start3A_664 = arith.constant 1 : i32
      %dma_start3A_665 = arith.constant 1 : i32
      %dma_start3A_666 = arith.constant 1 : i32
      %dma_start3A_667 = arith.constant 1 : i32
      %dma_start3A_668 = arith.constant 0 : i32
      %dma_start3A_669 = arith.constant 0 : i32
      %dma_start3A_670 = tpu.memref_slice %arg6[%dma_start3A_666, %dma_start3A_667, %dma_start3A_668, %dma_start3A_669] : memref<2x5x128x64xf32, #tpu.memory_space<vmem>> -> memref<1x1x128x64xf32, #tpu.memory_space<vmem>>
      %dma_start3A_671 = tpu.memref_squeeze %dma_start3A_670 : memref<1x1x128x64xf32, #tpu.memory_space<vmem>> -> memref<128x64xf32, #tpu.memory_space<vmem>>
      %dma_start3A_672 = arith.constant 0 : i32
      %dma_start3A_673 = tpu.memref_slice %arg5[%dma_start3A_664, %dma_start3A_665, %dma_start3A_672] : memref<2x5x128xi32, #tpu.memory_space<vmem>> -> memref<1x1x128xi32, #tpu.memory_space<vmem>>
      %dma_start3A_674 = tpu.memref_squeeze %dma_start3A_673 : memref<1x1x128xi32, #tpu.memory_space<vmem>> -> memref<128xi32, #tpu.memory_space<vmem>>
      %dma_start3A_675 = arith.constant 0 : i32
      %dma_start3A_676 = arith.constant 0 : i32
      %dma_start3A_677 = tpu.memref_slice %arg3[%dma_start3A_675, %dma_start3A_676] : memref<1000000x64xf32, #tpu.memory_space<hbm>> -> memref<1000000x64xf32, #tpu.memory_space<hbm>>
      tpu.enqueue_indirect_dma source(%dma_start3A_677 : memref<1000000x64xf32, #tpu.memory_space<hbm>>) target(%dma_start3A_671 : memref<128x64xf32, #tpu.memory_space<vmem>>) offsets(%dma_start3A_674 : memref<128xi32, #tpu.memory_space<vmem>>) semaphore(%arg8 : memref<!tpu.dma_semaphore, #tpu.memory_space<semaphore_mem>>)
      %dma_start3A_678 = arith.constant 1 : i32
      %dma_start3A_679 = arith.constant 2 : i32
      %dma_start3A_680 = arith.constant 1 : i32
      %dma_start3A_681 = arith.constant 2 : i32
      %dma_start3A_682 = arith.constant 0 : i32
      %dma_start3A_683 = arith.constant 0 : i32
      %dma_start3A_684 = tpu.memref_slice %arg6[%dma_start3A_680, %dma_start3A_681, %dma_start3A_682, %dma_start3A_683] : memref<2x5x128x64xf32, #tpu.memory_space<vmem>> -> memref<1x1x128x64xf32, #tpu.memory_space<vmem>>
      %dma_start3A_685 = tpu.memref_squeeze %dma_start3A_684 : memref<1x1x128x64xf32, #tpu.memory_space<vmem>> -> memref<128x64xf32, #tpu.memory_space<vmem>>
      %dma_start3A_686 = arith.constant 0 : i32
      %dma_start3A_687 = tpu.memref_slice %arg5[%dma_start3A_678, %dma_start3A_679, %dma_start3A_686] : memref<2x5x128xi32, #tpu.memory_space<vmem>> -> memref<1x1x128xi32, #tpu.memory_space<vmem>>
      %dma_start3A_688 = tpu.memref_squeeze %dma_start3A_687 : memref<1x1x128xi32, #tpu.memory_space<vmem>> -> memref<128xi32, #tpu.memory_space<vmem>>
      %dma_start3A_689 = arith.constant 0 : i32
      %dma_start3A_690 = arith.constant 0 : i32
      %dma_start3A_691 = tpu.memref_slice %arg3[%dma_start3A_689, %dma_start3A_690] : memref<1000000x64xf32, #tpu.memory_space<hbm>> -> memref<1000000x64xf32, #tpu.memory_space<hbm>>
      tpu.enqueue_indirect_dma source(%dma_start3A_691 : memref<1000000x64xf32, #tpu.memory_space<hbm>>) target(%dma_start3A_685 : memref<128x64xf32, #tpu.memory_space<vmem>>) offsets(%dma_start3A_688 : memref<128xi32, #tpu.memory_space<vmem>>) semaphore(%arg8 : memref<!tpu.dma_semaphore, #tpu.memory_space<semaphore_mem>>)
      %dma_start3A_692 = arith.constant 1 : i32
      %dma_start3A_693 = arith.constant 3 : i32
      %dma_start3A_694 = arith.constant 1 : i32
      %dma_start3A_695 = arith.constant 3 : i32
      %dma_start3A_696 = arith.constant 0 : i32
      %dma_start3A_697 = arith.constant 0 : i32
      %dma_start3A_698 = tpu.memref_slice %arg6[%dma_start3A_694, %dma_start3A_695, %dma_start3A_696, %dma_start3A_697] : memref<2x5x128x64xf32, #tpu.memory_space<vmem>> -> memref<1x1x128x64xf32, #tpu.memory_space<vmem>>
      %dma_start3A_699 = tpu.memref_squeeze %dma_start3A_698 : memref<1x1x128x64xf32, #tpu.memory_space<vmem>> -> memref<128x64xf32, #tpu.memory_space<vmem>>
      %dma_start3A_700 = arith.constant 0 : i32
      %dma_start3A_701 = tpu.memref_slice %arg5[%dma_start3A_692, %dma_start3A_693, %dma_start3A_700] : memref<2x5x128xi32, #tpu.memory_space<vmem>> -> memref<1x1x128xi32, #tpu.memory_space<vmem>>
      %dma_start3A_702 = tpu.memref_squeeze %dma_start3A_701 : memref<1x1x128xi32, #tpu.memory_space<vmem>> -> memref<128xi32, #tpu.memory_space<vmem>>
      %dma_start3A_703 = arith.constant 0 : i32
      %dma_start3A_704 = arith.constant 0 : i32
      %dma_start3A_705 = tpu.memref_slice %arg3[%dma_start3A_703, %dma_start3A_704] : memref<1000000x64xf32, #tpu.memory_space<hbm>> -> memref<1000000x64xf32, #tpu.memory_space<hbm>>
      tpu.enqueue_indirect_dma source(%dma_start3A_705 : memref<1000000x64xf32, #tpu.memory_space<hbm>>) target(%dma_start3A_699 : memref<128x64xf32, #tpu.memory_space<vmem>>) offsets(%dma_start3A_702 : memref<128xi32, #tpu.memory_space<vmem>>) semaphore(%arg8 : memref<!tpu.dma_semaphore, #tpu.memory_space<semaphore_mem>>)
      %dma_start3A_706 = arith.constant 1 : i32
      %dma_start3A_707 = arith.constant 4 : i32
      %dma_start3A_708 = arith.constant 1 : i32
      %dma_start3A_709 = arith.constant 4 : i32
      %dma_start3A_710 = arith.constant 0 : i32
      %dma_start3A_711 = arith.constant 0 : i32
      %dma_start3A_712 = tpu.memref_slice %arg6[%dma_start3A_708, %dma_start3A_709, %dma_start3A_710, %dma_start3A_711] : memref<2x5x128x64xf32, #tpu.memory_space<vmem>> -> memref<1x1x128x64xf32, #tpu.memory_space<vmem>>
      %dma_start3A_713 = tpu.memref_squeeze %dma_start3A_712 : memref<1x1x128x64xf32, #tpu.memory_space<vmem>> -> memref<128x64xf32, #tpu.memory_space<vmem>>
      %dma_start3A_714 = arith.constant 0 : i32
      %dma_start3A_715 = tpu.memref_slice %arg5[%dma_start3A_706, %dma_start3A_707, %dma_start3A_714] : memref<2x5x128xi32, #tpu.memory_space<vmem>> -> memref<1x1x128xi32, #tpu.memory_space<vmem>>
      %dma_start3A_716 = tpu.memref_squeeze %dma_start3A_715 : memref<1x1x128xi32, #tpu.memory_space<vmem>> -> memref<128xi32, #tpu.memory_space<vmem>>
      %dma_start3A_717 = arith.constant 0 : i32
      %dma_start3A_718 = arith.constant 0 : i32
      %dma_start3A_719 = tpu.memref_slice %arg3[%dma_start3A_717, %dma_start3A_718] : memref<1000000x64xf32, #tpu.memory_space<hbm>> -> memref<1000000x64xf32, #tpu.memory_space<hbm>>
      tpu.enqueue_indirect_dma source(%dma_start3A_719 : memref<1000000x64xf32, #tpu.memory_space<hbm>>) target(%dma_start3A_713 : memref<128x64xf32, #tpu.memory_space<vmem>>) offsets(%dma_start3A_716 : memref<128xi32, #tpu.memory_space<vmem>>) semaphore(%arg8 : memref<!tpu.dma_semaphore, #tpu.memory_space<semaphore_mem>>)
    }
    %scan3A_147 = arith.constant 19 : i32
    %dma_wait3A = arith.constant 0 : i32
    %dma_wait3A_148 = arith.constant 0 : i32
    %dma_wait3A_149 = arith.constant 0 : i32
    %dma_wait3A_150 = arith.constant 0 : i32
    %dma_wait3A_151 = arith.constant 0 : i32
    %dma_wait3A_152 = arith.constant 0 : i32
    %dma_wait3A_153 = tpu.memref_slice %arg6[%dma_wait3A_149, %dma_wait3A_150, %dma_wait3A_151, %dma_wait3A_152] : memref<2x5x128x64xf32, #tpu.memory_space<vmem>> -> memref<1x1x128x64xf32, #tpu.memory_space<vmem>>
    %dma_wait3A_154 = tpu.memref_squeeze %dma_wait3A_153 : memref<1x1x128x64xf32, #tpu.memory_space<vmem>> -> memref<128x64xf32, #tpu.memory_space<vmem>>
    %dma_wait3A_155 = arith.constant 0 : i32
    %dma_wait3A_156 = tpu.memref_slice %arg5[%dma_wait3A, %dma_wait3A_148, %dma_wait3A_155] : memref<2x5x128xi32, #tpu.memory_space<vmem>> -> memref<1x1x128xi32, #tpu.memory_space<vmem>>
    %dma_wait3A_157 = tpu.memref_squeeze %dma_wait3A_156 : memref<1x1x128xi32, #tpu.memory_space<vmem>> -> memref<128xi32, #tpu.memory_space<vmem>>
    %dma_wait3A_158 = arith.constant 0 : i32
    %dma_wait3A_159 = arith.constant 0 : i32
    %dma_wait3A_160 = tpu.memref_slice %arg3[%dma_wait3A_158, %dma_wait3A_159] : memref<1000000x64xf32, #tpu.memory_space<hbm>> -> memref<1000000x64xf32, #tpu.memory_space<hbm>>
    tpu.wait_indirect_dma semaphore(%arg7 : memref<!tpu.dma_semaphore, #tpu.memory_space<semaphore_mem>>) src(%dma_wait3A_160 : memref<1000000x64xf32, #tpu.memory_space<hbm>>) dst(%dma_wait3A_154 : memref<128x64xf32, #tpu.memory_space<vmem>>)
    %dma_wait3A_161 = arith.constant 0 : i32
    %dma_wait3A_162 = arith.constant 1 : i32
    %dma_wait3A_163 = arith.constant 0 : i32
    %dma_wait3A_164 = arith.constant 1 : i32
    %dma_wait3A_165 = arith.constant 0 : i32
    %dma_wait3A_166 = arith.constant 0 : i32
    %dma_wait3A_167 = tpu.memref_slice %arg6[%dma_wait3A_163, %dma_wait3A_164, %dma_wait3A_165, %dma_wait3A_166] : memref<2x5x128x64xf32, #tpu.memory_space<vmem>> -> memref<1x1x128x64xf32, #tpu.memory_space<vmem>>
    %dma_wait3A_168 = tpu.memref_squeeze %dma_wait3A_167 : memref<1x1x128x64xf32, #tpu.memory_space<vmem>> -> memref<128x64xf32, #tpu.memory_space<vmem>>
    %dma_wait3A_169 = arith.constant 0 : i32
    %dma_wait3A_170 = tpu.memref_slice %arg5[%dma_wait3A_161, %dma_wait3A_162, %dma_wait3A_169] : memref<2x5x128xi32, #tpu.memory_space<vmem>> -> memref<1x1x128xi32, #tpu.memory_space<vmem>>
    %dma_wait3A_171 = tpu.memref_squeeze %dma_wait3A_170 : memref<1x1x128xi32, #tpu.memory_space<vmem>> -> memref<128xi32, #tpu.memory_space<vmem>>
    %dma_wait3A_172 = arith.constant 0 : i32
    %dma_wait3A_173 = arith.constant 0 : i32
    %dma_wait3A_174 = tpu.memref_slice %arg3[%dma_wait3A_172, %dma_wait3A_173] : memref<1000000x64xf32, #tpu.memory_space<hbm>> -> memref<1000000x64xf32, #tpu.memory_space<hbm>>
    tpu.wait_indirect_dma semaphore(%arg7 : memref<!tpu.dma_semaphore, #tpu.memory_space<semaphore_mem>>) src(%dma_wait3A_174 : memref<1000000x64xf32, #tpu.memory_space<hbm>>) dst(%dma_wait3A_168 : memref<128x64xf32, #tpu.memory_space<vmem>>)
    %dma_wait3A_175 = arith.constant 0 : i32
    %dma_wait3A_176 = arith.constant 2 : i32
    %dma_wait3A_177 = arith.constant 0 : i32
    %dma_wait3A_178 = arith.constant 2 : i32
    %dma_wait3A_179 = arith.constant 0 : i32
    %dma_wait3A_180 = arith.constant 0 : i32
    %dma_wait3A_181 = tpu.memref_slice %arg6[%dma_wait3A_177, %dma_wait3A_178, %dma_wait3A_179, %dma_wait3A_180] : memref<2x5x128x64xf32, #tpu.memory_space<vmem>> -> memref<1x1x128x64xf32, #tpu.memory_space<vmem>>
    %dma_wait3A_182 = tpu.memref_squeeze %dma_wait3A_181 : memref<1x1x128x64xf32, #tpu.memory_space<vmem>> -> memref<128x64xf32, #tpu.memory_space<vmem>>
    %dma_wait3A_183 = arith.constant 0 : i32
    %dma_wait3A_184 = tpu.memref_slice %arg5[%dma_wait3A_175, %dma_wait3A_176, %dma_wait3A_183] : memref<2x5x128xi32, #tpu.memory_space<vmem>> -> memref<1x1x128xi32, #tpu.memory_space<vmem>>
    %dma_wait3A_185 = tpu.memref_squeeze %dma_wait3A_184 : memref<1x1x128xi32, #tpu.memory_space<vmem>> -> memref<128xi32, #tpu.memory_space<vmem>>
    %dma_wait3A_186 = arith.constant 0 : i32
    %dma_wait3A_187 = arith.constant 0 : i32
    %dma_wait3A_188 = tpu.memref_slice %arg3[%dma_wait3A_186, %dma_wait3A_187] : memref<1000000x64xf32, #tpu.memory_space<hbm>> -> memref<1000000x64xf32, #tpu.memory_space<hbm>>
    tpu.wait_indirect_dma semaphore(%arg7 : memref<!tpu.dma_semaphore, #tpu.memory_space<semaphore_mem>>) src(%dma_wait3A_188 : memref<1000000x64xf32, #tpu.memory_space<hbm>>) dst(%dma_wait3A_182 : memref<128x64xf32, #tpu.memory_space<vmem>>)
    %dma_wait3A_189 = arith.constant 0 : i32
    %dma_wait3A_190 = arith.constant 3 : i32
    %dma_wait3A_191 = arith.constant 0 : i32
    %dma_wait3A_192 = arith.constant 3 : i32
    %dma_wait3A_193 = arith.constant 0 : i32
    %dma_wait3A_194 = arith.constant 0 : i32
    %dma_wait3A_195 = tpu.memref_slice %arg6[%dma_wait3A_191, %dma_wait3A_192, %dma_wait3A_193, %dma_wait3A_194] : memref<2x5x128x64xf32, #tpu.memory_space<vmem>> -> memref<1x1x128x64xf32, #tpu.memory_space<vmem>>
    %dma_wait3A_196 = tpu.memref_squeeze %dma_wait3A_195 : memref<1x1x128x64xf32, #tpu.memory_space<vmem>> -> memref<128x64xf32, #tpu.memory_space<vmem>>
    %dma_wait3A_197 = arith.constant 0 : i32
    %dma_wait3A_198 = tpu.memref_slice %arg5[%dma_wait3A_189, %dma_wait3A_190, %dma_wait3A_197] : memref<2x5x128xi32, #tpu.memory_space<vmem>> -> memref<1x1x128xi32, #tpu.memory_space<vmem>>
    %dma_wait3A_199 = tpu.memref_squeeze %dma_wait3A_198 : memref<1x1x128xi32, #tpu.memory_space<vmem>> -> memref<128xi32, #tpu.memory_space<vmem>>
    %dma_wait3A_200 = arith.constant 0 : i32
    %dma_wait3A_201 = arith.constant 0 : i32
    %dma_wait3A_202 = tpu.memref_slice %arg3[%dma_wait3A_200, %dma_wait3A_201] : memref<1000000x64xf32, #tpu.memory_space<hbm>> -> memref<1000000x64xf32, #tpu.memory_space<hbm>>
    tpu.wait_indirect_dma semaphore(%arg7 : memref<!tpu.dma_semaphore, #tpu.memory_space<semaphore_mem>>) src(%dma_wait3A_202 : memref<1000000x64xf32, #tpu.memory_space<hbm>>) dst(%dma_wait3A_196 : memref<128x64xf32, #tpu.memory_space<vmem>>)
    %dma_wait3A_203 = arith.constant 0 : i32
    %dma_wait3A_204 = arith.constant 4 : i32
    %dma_wait3A_205 = arith.constant 0 : i32
    %dma_wait3A_206 = arith.constant 4 : i32
    %dma_wait3A_207 = arith.constant 0 : i32
    %dma_wait3A_208 = arith.constant 0 : i32
    %dma_wait3A_209 = tpu.memref_slice %arg6[%dma_wait3A_205, %dma_wait3A_206, %dma_wait3A_207, %dma_wait3A_208] : memref<2x5x128x64xf32, #tpu.memory_space<vmem>> -> memref<1x1x128x64xf32, #tpu.memory_space<vmem>>
    %dma_wait3A_210 = tpu.memref_squeeze %dma_wait3A_209 : memref<1x1x128x64xf32, #tpu.memory_space<vmem>> -> memref<128x64xf32, #tpu.memory_space<vmem>>
    %dma_wait3A_211 = arith.constant 0 : i32
    %dma_wait3A_212 = tpu.memref_slice %arg5[%dma_wait3A_203, %dma_wait3A_204, %dma_wait3A_211] : memref<2x5x128xi32, #tpu.memory_space<vmem>> -> memref<1x1x128xi32, #tpu.memory_space<vmem>>
    %dma_wait3A_213 = tpu.memref_squeeze %dma_wait3A_212 : memref<1x1x128xi32, #tpu.memory_space<vmem>> -> memref<128xi32, #tpu.memory_space<vmem>>
    %dma_wait3A_214 = arith.constant 0 : i32
    %dma_wait3A_215 = arith.constant 0 : i32
    %dma_wait3A_216 = tpu.memref_slice %arg3[%dma_wait3A_214, %dma_wait3A_215] : memref<1000000x64xf32, #tpu.memory_space<hbm>> -> memref<1000000x64xf32, #tpu.memory_space<hbm>>
    tpu.wait_indirect_dma semaphore(%arg7 : memref<!tpu.dma_semaphore, #tpu.memory_space<semaphore_mem>>) src(%dma_wait3A_216 : memref<1000000x64xf32, #tpu.memory_space<hbm>>) dst(%dma_wait3A_210 : memref<128x64xf32, #tpu.memory_space<vmem>>)
    %dma_start3A_217 = arith.constant 0 : i32
    %dma_start3A_218 = arith.constant 0 : i32
    %dma_start3A_219 = arith.constant 0 : i32
    %dma_start3A_220 = arith.constant 0 : i32
    %dma_start3A_221 = tpu.memref_slice %arg6[%dma_start3A_217, %dma_start3A_218, %dma_start3A_219, %dma_start3A_220] : memref<2x5x128x64xf32, #tpu.memory_space<vmem>> -> memref<1x5x128x64xf32, #tpu.memory_space<vmem>>
    %dma_start3A_222 = tpu.memref_squeeze %dma_start3A_221 : memref<1x5x128x64xf32, #tpu.memory_space<vmem>> -> memref<5x128x64xf32, #tpu.memory_space<vmem>>
    %dma_start3A_223 = arith.constant 190 : i32
    %dma_start3A_224 = arith.constant 0 : i32
    %dma_start3A_225 = tpu.memref_slice %arg4[%dma_start3A_223, %mul3A_2, %dma_start3A_224] : memref<200x4096x64xf32, #tpu.memory_space<hbm>> -> memref<5x128x64xf32, #tpu.memory_space<hbm>>
    %dma_start3A_226 = arith.constant 190 : i32
    %dma_start3A_227 = arith.constant 0 : i32
    %dma_start3A_228 = tpu.memref_slice %arg4[%dma_start3A_226, %mul3A_2, %dma_start3A_227] : memref<200x4096x64xf32, #tpu.memory_space<hbm>> -> memref<5x128x64xf32, #tpu.memory_space<hbm>>
    %dma_start3A_229 = arith.constant 0 : i32
    %dma_start3A_230 = arith.constant 0 : i32
    %dma_start3A_231 = arith.constant 0 : i32
    %dma_start3A_232 = tpu.memref_slice %arg6[%dma_start3A_217, %dma_start3A_229, %dma_start3A_230, %dma_start3A_231] : memref<2x5x128x64xf32, #tpu.memory_space<vmem>> -> memref<1x5x128x64xf32, #tpu.memory_space<vmem>>
    %dma_start3A_233 = tpu.memref_squeeze %dma_start3A_232 : memref<1x5x128x64xf32, #tpu.memory_space<vmem>> -> memref<5x128x64xf32, #tpu.memory_space<vmem>>
    tpu.enqueue_dma source(%dma_start3A_233 : memref<5x128x64xf32, #tpu.memory_space<vmem>>) target(%dma_start3A_228 : memref<5x128x64xf32, #tpu.memory_space<hbm>>) target_semaphore(%arg9 : memref<!tpu.dma_semaphore, #tpu.memory_space<semaphore_mem>>)
    %dma_wait3A_234 = arith.constant 1 : i32
    %dma_wait3A_235 = arith.constant 0 : i32
    %dma_wait3A_236 = arith.constant 1 : i32
    %dma_wait3A_237 = arith.constant 0 : i32
    %dma_wait3A_238 = arith.constant 0 : i32
    %dma_wait3A_239 = arith.constant 0 : i32
    %dma_wait3A_240 = tpu.memref_slice %arg6[%dma_wait3A_236, %dma_wait3A_237, %dma_wait3A_238, %dma_wait3A_239] : memref<2x5x128x64xf32, #tpu.memory_space<vmem>> -> memref<1x1x128x64xf32, #tpu.memory_space<vmem>>
    %dma_wait3A_241 = tpu.memref_squeeze %dma_wait3A_240 : memref<1x1x128x64xf32, #tpu.memory_space<vmem>> -> memref<128x64xf32, #tpu.memory_space<vmem>>
    %dma_wait3A_242 = arith.constant 0 : i32
    %dma_wait3A_243 = tpu.memref_slice %arg5[%dma_wait3A_234, %dma_wait3A_235, %dma_wait3A_242] : memref<2x5x128xi32, #tpu.memory_space<vmem>> -> memref<1x1x128xi32, #tpu.memory_space<vmem>>
    %dma_wait3A_244 = tpu.memref_squeeze %dma_wait3A_243 : memref<1x1x128xi32, #tpu.memory_space<vmem>> -> memref<128xi32, #tpu.memory_space<vmem>>
    %dma_wait3A_245 = arith.constant 0 : i32
    %dma_wait3A_246 = arith.constant 0 : i32
    %dma_wait3A_247 = tpu.memref_slice %arg3[%dma_wait3A_245, %dma_wait3A_246] : memref<1000000x64xf32, #tpu.memory_space<hbm>> -> memref<1000000x64xf32, #tpu.memory_space<hbm>>
    tpu.wait_indirect_dma semaphore(%arg8 : memref<!tpu.dma_semaphore, #tpu.memory_space<semaphore_mem>>) src(%dma_wait3A_247 : memref<1000000x64xf32, #tpu.memory_space<hbm>>) dst(%dma_wait3A_241 : memref<128x64xf32, #tpu.memory_space<vmem>>)
    %dma_wait3A_248 = arith.constant 1 : i32
    %dma_wait3A_249 = arith.constant 1 : i32
    %dma_wait3A_250 = arith.constant 1 : i32
    %dma_wait3A_251 = arith.constant 1 : i32
    %dma_wait3A_252 = arith.constant 0 : i32
    %dma_wait3A_253 = arith.constant 0 : i32
    %dma_wait3A_254 = tpu.memref_slice %arg6[%dma_wait3A_250, %dma_wait3A_251, %dma_wait3A_252, %dma_wait3A_253] : memref<2x5x128x64xf32, #tpu.memory_space<vmem>> -> memref<1x1x128x64xf32, #tpu.memory_space<vmem>>
    %dma_wait3A_255 = tpu.memref_squeeze %dma_wait3A_254 : memref<1x1x128x64xf32, #tpu.memory_space<vmem>> -> memref<128x64xf32, #tpu.memory_space<vmem>>
    %dma_wait3A_256 = arith.constant 0 : i32
    %dma_wait3A_257 = tpu.memref_slice %arg5[%dma_wait3A_248, %dma_wait3A_249, %dma_wait3A_256] : memref<2x5x128xi32, #tpu.memory_space<vmem>> -> memref<1x1x128xi32, #tpu.memory_space<vmem>>
    %dma_wait3A_258 = tpu.memref_squeeze %dma_wait3A_257 : memref<1x1x128xi32, #tpu.memory_space<vmem>> -> memref<128xi32, #tpu.memory_space<vmem>>
    %dma_wait3A_259 = arith.constant 0 : i32
    %dma_wait3A_260 = arith.constant 0 : i32
    %dma_wait3A_261 = tpu.memref_slice %arg3[%dma_wait3A_259, %dma_wait3A_260] : memref<1000000x64xf32, #tpu.memory_space<hbm>> -> memref<1000000x64xf32, #tpu.memory_space<hbm>>
    tpu.wait_indirect_dma semaphore(%arg8 : memref<!tpu.dma_semaphore, #tpu.memory_space<semaphore_mem>>) src(%dma_wait3A_261 : memref<1000000x64xf32, #tpu.memory_space<hbm>>) dst(%dma_wait3A_255 : memref<128x64xf32, #tpu.memory_space<vmem>>)
    %dma_wait3A_262 = arith.constant 1 : i32
    %dma_wait3A_263 = arith.constant 2 : i32
    %dma_wait3A_264 = arith.constant 1 : i32
    %dma_wait3A_265 = arith.constant 2 : i32
    %dma_wait3A_266 = arith.constant 0 : i32
    %dma_wait3A_267 = arith.constant 0 : i32
    %dma_wait3A_268 = tpu.memref_slice %arg6[%dma_wait3A_264, %dma_wait3A_265, %dma_wait3A_266, %dma_wait3A_267] : memref<2x5x128x64xf32, #tpu.memory_space<vmem>> -> memref<1x1x128x64xf32, #tpu.memory_space<vmem>>
    %dma_wait3A_269 = tpu.memref_squeeze %dma_wait3A_268 : memref<1x1x128x64xf32, #tpu.memory_space<vmem>> -> memref<128x64xf32, #tpu.memory_space<vmem>>
    %dma_wait3A_270 = arith.constant 0 : i32
    %dma_wait3A_271 = tpu.memref_slice %arg5[%dma_wait3A_262, %dma_wait3A_263, %dma_wait3A_270] : memref<2x5x128xi32, #tpu.memory_space<vmem>> -> memref<1x1x128xi32, #tpu.memory_space<vmem>>
    %dma_wait3A_272 = tpu.memref_squeeze %dma_wait3A_271 : memref<1x1x128xi32, #tpu.memory_space<vmem>> -> memref<128xi32, #tpu.memory_space<vmem>>
    %dma_wait3A_273 = arith.constant 0 : i32
    %dma_wait3A_274 = arith.constant 0 : i32
    %dma_wait3A_275 = tpu.memref_slice %arg3[%dma_wait3A_273, %dma_wait3A_274] : memref<1000000x64xf32, #tpu.memory_space<hbm>> -> memref<1000000x64xf32, #tpu.memory_space<hbm>>
    tpu.wait_indirect_dma semaphore(%arg8 : memref<!tpu.dma_semaphore, #tpu.memory_space<semaphore_mem>>) src(%dma_wait3A_275 : memref<1000000x64xf32, #tpu.memory_space<hbm>>) dst(%dma_wait3A_269 : memref<128x64xf32, #tpu.memory_space<vmem>>)
    %dma_wait3A_276 = arith.constant 1 : i32
    %dma_wait3A_277 = arith.constant 3 : i32
    %dma_wait3A_278 = arith.constant 1 : i32
    %dma_wait3A_279 = arith.constant 3 : i32
    %dma_wait3A_280 = arith.constant 0 : i32
    %dma_wait3A_281 = arith.constant 0 : i32
    %dma_wait3A_282 = tpu.memref_slice %arg6[%dma_wait3A_278, %dma_wait3A_279, %dma_wait3A_280, %dma_wait3A_281] : memref<2x5x128x64xf32, #tpu.memory_space<vmem>> -> memref<1x1x128x64xf32, #tpu.memory_space<vmem>>
    %dma_wait3A_283 = tpu.memref_squeeze %dma_wait3A_282 : memref<1x1x128x64xf32, #tpu.memory_space<vmem>> -> memref<128x64xf32, #tpu.memory_space<vmem>>
    %dma_wait3A_284 = arith.constant 0 : i32
    %dma_wait3A_285 = tpu.memref_slice %arg5[%dma_wait3A_276, %dma_wait3A_277, %dma_wait3A_284] : memref<2x5x128xi32, #tpu.memory_space<vmem>> -> memref<1x1x128xi32, #tpu.memory_space<vmem>>
    %dma_wait3A_286 = tpu.memref_squeeze %dma_wait3A_285 : memref<1x1x128xi32, #tpu.memory_space<vmem>> -> memref<128xi32, #tpu.memory_space<vmem>>
    %dma_wait3A_287 = arith.constant 0 : i32
    %dma_wait3A_288 = arith.constant 0 : i32
    %dma_wait3A_289 = tpu.memref_slice %arg3[%dma_wait3A_287, %dma_wait3A_288] : memref<1000000x64xf32, #tpu.memory_space<hbm>> -> memref<1000000x64xf32, #tpu.memory_space<hbm>>
    tpu.wait_indirect_dma semaphore(%arg8 : memref<!tpu.dma_semaphore, #tpu.memory_space<semaphore_mem>>) src(%dma_wait3A_289 : memref<1000000x64xf32, #tpu.memory_space<hbm>>) dst(%dma_wait3A_283 : memref<128x64xf32, #tpu.memory_space<vmem>>)
    %dma_wait3A_290 = arith.constant 1 : i32
    %dma_wait3A_291 = arith.constant 4 : i32
    %dma_wait3A_292 = arith.constant 1 : i32
    %dma_wait3A_293 = arith.constant 4 : i32
    %dma_wait3A_294 = arith.constant 0 : i32
    %dma_wait3A_295 = arith.constant 0 : i32
    %dma_wait3A_296 = tpu.memref_slice %arg6[%dma_wait3A_292, %dma_wait3A_293, %dma_wait3A_294, %dma_wait3A_295] : memref<2x5x128x64xf32, #tpu.memory_space<vmem>> -> memref<1x1x128x64xf32, #tpu.memory_space<vmem>>
    %dma_wait3A_297 = tpu.memref_squeeze %dma_wait3A_296 : memref<1x1x128x64xf32, #tpu.memory_space<vmem>> -> memref<128x64xf32, #tpu.memory_space<vmem>>
    %dma_wait3A_298 = arith.constant 0 : i32
    %dma_wait3A_299 = tpu.memref_slice %arg5[%dma_wait3A_290, %dma_wait3A_291, %dma_wait3A_298] : memref<2x5x128xi32, #tpu.memory_space<vmem>> -> memref<1x1x128xi32, #tpu.memory_space<vmem>>
    %dma_wait3A_300 = tpu.memref_squeeze %dma_wait3A_299 : memref<1x1x128xi32, #tpu.memory_space<vmem>> -> memref<128xi32, #tpu.memory_space<vmem>>
    %dma_wait3A_301 = arith.constant 0 : i32
    %dma_wait3A_302 = arith.constant 0 : i32
    %dma_wait3A_303 = tpu.memref_slice %arg3[%dma_wait3A_301, %dma_wait3A_302] : memref<1000000x64xf32, #tpu.memory_space<hbm>> -> memref<1000000x64xf32, #tpu.memory_space<hbm>>
    tpu.wait_indirect_dma semaphore(%arg8 : memref<!tpu.dma_semaphore, #tpu.memory_space<semaphore_mem>>) src(%dma_wait3A_303 : memref<1000000x64xf32, #tpu.memory_space<hbm>>) dst(%dma_wait3A_297 : memref<128x64xf32, #tpu.memory_space<vmem>>)
    %dma_start3A_304 = arith.constant 1 : i32
    %dma_start3A_305 = arith.constant 0 : i32
    %dma_start3A_306 = arith.constant 0 : i32
    %dma_start3A_307 = arith.constant 0 : i32
    %dma_start3A_308 = tpu.memref_slice %arg6[%dma_start3A_304, %dma_start3A_305, %dma_start3A_306, %dma_start3A_307] : memref<2x5x128x64xf32, #tpu.memory_space<vmem>> -> memref<1x5x128x64xf32, #tpu.memory_space<vmem>>
    %dma_start3A_309 = tpu.memref_squeeze %dma_start3A_308 : memref<1x5x128x64xf32, #tpu.memory_space<vmem>> -> memref<5x128x64xf32, #tpu.memory_space<vmem>>
    %dma_start3A_310 = arith.constant 195 : i32
    %dma_start3A_311 = arith.constant 0 : i32
    %dma_start3A_312 = tpu.memref_slice %arg4[%dma_start3A_310, %mul3A_2, %dma_start3A_311] : memref<200x4096x64xf32, #tpu.memory_space<hbm>> -> memref<5x128x64xf32, #tpu.memory_space<hbm>>
    %dma_start3A_313 = arith.constant 195 : i32
    %dma_start3A_314 = arith.constant 0 : i32
    %dma_start3A_315 = tpu.memref_slice %arg4[%dma_start3A_313, %mul3A_2, %dma_start3A_314] : memref<200x4096x64xf32, #tpu.memory_space<hbm>> -> memref<5x128x64xf32, #tpu.memory_space<hbm>>
    %dma_start3A_316 = arith.constant 0 : i32
    %dma_start3A_317 = arith.constant 0 : i32
    %dma_start3A_318 = arith.constant 0 : i32
    %dma_start3A_319 = tpu.memref_slice %arg6[%dma_start3A_304, %dma_start3A_316, %dma_start3A_317, %dma_start3A_318] : memref<2x5x128x64xf32, #tpu.memory_space<vmem>> -> memref<1x5x128x64xf32, #tpu.memory_space<vmem>>
    %dma_start3A_320 = tpu.memref_squeeze %dma_start3A_319 : memref<1x5x128x64xf32, #tpu.memory_space<vmem>> -> memref<5x128x64xf32, #tpu.memory_space<vmem>>
    tpu.enqueue_dma source(%dma_start3A_320 : memref<5x128x64xf32, #tpu.memory_space<vmem>>) target(%dma_start3A_315 : memref<5x128x64xf32, #tpu.memory_space<hbm>>) target_semaphore(%arg10 : memref<!tpu.dma_semaphore, #tpu.memory_space<semaphore_mem>>)
    %dma_wait3A_321 = arith.constant 0 : i32
    %dma_wait3A_322 = arith.constant 0 : i32
    %dma_wait3A_323 = arith.constant 0 : i32
    %dma_wait3A_324 = arith.constant 0 : i32
    %dma_wait3A_325 = tpu.memref_slice %arg6[%dma_wait3A_321, %dma_wait3A_322, %dma_wait3A_323, %dma_wait3A_324] : memref<2x5x128x64xf32, #tpu.memory_space<vmem>> -> memref<1x5x128x64xf32, #tpu.memory_space<vmem>>
    %dma_wait3A_326 = tpu.memref_squeeze %dma_wait3A_325 : memref<1x5x128x64xf32, #tpu.memory_space<vmem>> -> memref<5x128x64xf32, #tpu.memory_space<vmem>>
    %dma_wait3A_327 = arith.constant 190 : i32
    %dma_wait3A_328 = arith.constant 0 : i32
    %dma_wait3A_329 = tpu.memref_slice %arg4[%dma_wait3A_327, %mul3A_2, %dma_wait3A_328] : memref<200x4096x64xf32, #tpu.memory_space<hbm>> -> memref<5x128x64xf32, #tpu.memory_space<hbm>>
    %dma_wait3A_330 = arith.constant 190 : i32
    %dma_wait3A_331 = arith.constant 0 : i32
    %dma_wait3A_332 = tpu.memref_slice %arg4[%dma_wait3A_330, %mul3A_2, %dma_wait3A_331] : memref<200x4096x64xf32, #tpu.memory_space<hbm>> -> memref<5x128x64xf32, #tpu.memory_space<hbm>>
    %dma_wait3A_333 = arith.constant 0 : i32
    %dma_wait3A_334 = arith.constant 0 : i32
    %dma_wait3A_335 = arith.constant 0 : i32
    %dma_wait3A_336 = tpu.memref_slice %arg6[%dma_wait3A_321, %dma_wait3A_333, %dma_wait3A_334, %dma_wait3A_335] : memref<2x5x128x64xf32, #tpu.memory_space<vmem>> -> memref<1x5x128x64xf32, #tpu.memory_space<vmem>>
    %dma_wait3A_337 = tpu.memref_squeeze %dma_wait3A_336 : memref<1x5x128x64xf32, #tpu.memory_space<vmem>> -> memref<5x128x64xf32, #tpu.memory_space<vmem>>
    tpu.wait_dma2 semaphore(%arg9 : memref<!tpu.dma_semaphore, #tpu.memory_space<semaphore_mem>>) src(%dma_wait3A_337 : memref<5x128x64xf32, #tpu.memory_space<vmem>>) dst(%dma_wait3A_332 : memref<5x128x64xf32, #tpu.memory_space<hbm>>)
    %dma_wait3A_338 = arith.constant 1 : i32
    %dma_wait3A_339 = arith.constant 0 : i32
    %dma_wait3A_340 = arith.constant 0 : i32
    %dma_wait3A_341 = arith.constant 0 : i32
    %dma_wait3A_342 = tpu.memref_slice %arg6[%dma_wait3A_338, %dma_wait3A_339, %dma_wait3A_340, %dma_wait3A_341] : memref<2x5x128x64xf32, #tpu.memory_space<vmem>> -> memref<1x5x128x64xf32, #tpu.memory_space<vmem>>
    %dma_wait3A_343 = tpu.memref_squeeze %dma_wait3A_342 : memref<1x5x128x64xf32, #tpu.memory_space<vmem>> -> memref<5x128x64xf32, #tpu.memory_space<vmem>>
    %dma_wait3A_344 = arith.constant 195 : i32
    %dma_wait3A_345 = arith.constant 0 : i32
    %dma_wait3A_346 = tpu.memref_slice %arg4[%dma_wait3A_344, %mul3A_2, %dma_wait3A_345] : memref<200x4096x64xf32, #tpu.memory_space<hbm>> -> memref<5x128x64xf32, #tpu.memory_space<hbm>>
    %dma_wait3A_347 = arith.constant 195 : i32
    %dma_wait3A_348 = arith.constant 0 : i32
    %dma_wait3A_349 = tpu.memref_slice %arg4[%dma_wait3A_347, %mul3A_2, %dma_wait3A_348] : memref<200x4096x64xf32, #tpu.memory_space<hbm>> -> memref<5x128x64xf32, #tpu.memory_space<hbm>>
    %dma_wait3A_350 = arith.constant 0 : i32
    %dma_wait3A_351 = arith.constant 0 : i32
    %dma_wait3A_352 = arith.constant 0 : i32
    %dma_wait3A_353 = tpu.memref_slice %arg6[%dma_wait3A_338, %dma_wait3A_350, %dma_wait3A_351, %dma_wait3A_352] : memref<2x5x128x64xf32, #tpu.memory_space<vmem>> -> memref<1x5x128x64xf32, #tpu.memory_space<vmem>>
    %dma_wait3A_354 = tpu.memref_squeeze %dma_wait3A_353 : memref<1x5x128x64xf32, #tpu.memory_space<vmem>> -> memref<5x128x64xf32, #tpu.memory_space<vmem>>
    tpu.wait_dma2 semaphore(%arg10 : memref<!tpu.dma_semaphore, #tpu.memory_space<semaphore_mem>>) src(%dma_wait3A_354 : memref<5x128x64xf32, #tpu.memory_space<vmem>>) dst(%dma_wait3A_349 : memref<5x128x64xf32, #tpu.memory_space<hbm>>)
    return
  }
}

</mosaic_0001>

<sc_bundles>
// kernel: kernel.3.cloned.1.call-start
scs
__scs_entry_jumppad:
0x0: {  	(pc) =	sbr.rel $0x88, $3  }
0x1: {  	(tag) =	ssettag $0x0;
	lr =	simm.s32 $0x1  }
0x2: {  	[smem:$0x3F9F] =	sst lr;
	_ =	strace $0xD0000000  }
0x3: {  	_ = 	snop  }
0x4: {  	_ = 	snop  }
0x5: {  	_ = 	snop  }
0x6: {  	_ = 	snop  }
0x7: {  	_ = 	snop  }
__scs_overlays_trampoline_lowered:
0x8: {  	[smem:$0x3FAE] =	sst s0  }
0x9: {  	[smem:$0x3FAF] =	sst s1  }
0xa: {  	[smem:$0x3FB0] =	sst s2  }
0xb: {  	[smem:$0x3FB1] =	sst s3  }
0xc: {  	[smem:$0x3FB2] =	sst s4  }
0xd: {  	[smem:$0x3FB3] =	sst s5  }
0xe: {  	[smem:$0x3FB4] =	sst s6  }
0xf: {  	[smem:$0x3FB5] =	sst s7  }
0x10: {  	[smem:$0x3FB6] =	sst s8  }
0x11: {  	[smem:$0x3FB7] =	sst s9;
	s0 =	simm.s32 @!p0 $0x0  }
0x12: {  	s1 =	sld [smem:$0x3F9D];
	s0 =	simm.s32 @p0 $0x1  }
0x13: {  	[smem:$0x3FB8] =	sst s0;
	s0 =	simm.s32 @!p1 $0x0  }
0x14: {  	s2 =	sld [smem:$0x3F9C];
	s0 =	simm.s32 @p1 $0x1  }
0x15: {  	[smem:$0x3FB9] =	sst s0;
	s0 =	simm.s32 @!p2 $0x0  }
0x16: {  	s3 =	sld [smem:$0x3FDB];
	s0 =	simm.s32 @p2 $0x1  }
0x17: {  	s4 =	simm.s32 $0x1BF5;
	[smem:$0x3FBB] =	sst s0  }
0x18: {  	s0 =	sld [smem:$0x3F9E];
	_ =	swait.ge [sflag:s4], $0x0  }
0x19: {  	s7 =	sld [smem:$0x3F9F]  }
0x1a: {  	s8 =	sadd.s32 $0xFFFFE003, lr  }
0x1b: {  	s9 =	sadd.s32 $0xFFFFFEF7, lr;
	s5 =	simm.s32 $0xFFFFFFFF;
	p2 =	slt.u32 s8, $0xFFFFF086  }
0x1c: {  	p1 =	slt.u32 s9, $0xF7A;
	s5 =	simm.s32 @!p2 $0x0  }
0x1d: {  	s5 =	simm.s32 @p1 $0x1;
	p0 =	seq.s32 s7, s2  }
0x1e: {  	s7 =	smul.u32 @!p0 $0xF7A, s2;
	p2 =	seq.s32 @!p0 s5, $0x0  }
0x1f: {  	s9 =	smul.u32 $0xF7A, s1;
	s8 =	simm.s32 @!p0 $0x1BF5;
	p2 =	por !p2, p0  }
0x20: {  	[sflag:s8] =	ssyncset.s32 @!p0 $0xFFFFF086;
	s6 =	sadd.s32 @!p0 s3, s7;
	s7 =	simm.s32 @!p0 $0x108  }
0x21: {  	s3 =	sadd.s32 s3, s9;
	s6 =	sadd.s32 @!p0 $0x88, s6;
	s7 =	simm.s32 @p2 $0x1082  }
0x22: {  	[simem:s7], [sflag:s8] =	dma.local @!p0 [hbm:s6], $0xF7A  }
0x23: {  	s9 =	sor.u32 $0xD0000000, s2;
	s6 =	simm.s32 $0x108;
	_ =	swait.ge @!p0 [sflag:s8], $0x0  }
0x24: {  	s3 =	sadd.s32 $0x88, s3;
	s6 =	simm.s32 @!p1 $0x1082;
	[sflag:s4] =	ssyncset.s32 $0xFFFFF086  }
0x25: {  	[simem:s6], [sflag:s4] =	dma.local [hbm:s3], $0xF7A  }
0x26: {  	[smem:$0x3F9F] =	sst s1;
	(tag) =	ssettag s2;
	_ =	strace s9  }
0x27: {  	s1 =	sld [smem:$0x3FAF]  }
0x28: {  	s2 =	sld [smem:$0x3FB0]  }
0x29: {  	s4 =	sld [smem:$0x3FB2]  }
0x2a: {  	p0 =	seq.s32 s5, $0x0;
	s5 =	sld [smem:$0x3FB3]  }
0x2b: {  	s6 =	sld [smem:$0x3FB4]  }
0x2c: {  	s7 =	sld [smem:$0x3FB5]  }
0x2d: {  	s3 =	simm.s32 $0x108;
	s8 =	sld [smem:$0x3FB6]  }
0x2e: {  	s3 =	simm.s32 @!p0 $0x1082;
	s9 =	sld [smem:$0x3FB7]  }
0x2f: {  	lr =	sadd.s32 s0, s3;
	s0 =	sld [smem:$0x3FAE]  }
0x30: {  	s3 =	sld [smem:$0x3FB1]  }
0x31: {  	[smem:$0x3FBA] =	sst s10  }
0x32: {  	s10 =	sld [smem:$0x3FB8];
	_ =	sdelay $0x3  }
0x33: {  	p0 =	seq.s32 s10, $0x1;
	s10 =	sld [smem:$0x3FBA];
	_ =	sdelay $0x3  }
0x34: {  	[smem:$0x3FBA] =	sst s10  }
0x35: {  	s10 =	sld [smem:$0x3FB9];
	_ =	sdelay $0x3  }
0x36: {  	p1 =	seq.s32 s10, $0x1;
	s10 =	sld [smem:$0x3FBA];
	_ =	sdelay $0x3  }
0x37: {  	[smem:$0x3FBA] =	sst s10  }
0x38: {  	s10 =	sld [smem:$0x3FBB]  }
0x39: {  	_ = 	snop;
	(pc) =	sbr.ind lr, $3  }
0x3a: {  	_ = 	snop  }
0x3b: {  	_ = 	snop  }
0x3c: {  	p2 =	seq.s32 s10, $0x1;
	s10 =	sld [smem:$0x3FBA]  }
0x3d: {  	_ =	shalt  }
0x3e: {  	_ =	shalt  }
0x3f: {  	_ =	shalt  }
0x40: {  	_ =	shalt  }
0x41: {  	_ =	shalt  }
0x42: {  	_ =	shalt  }
0x43: {  	_ =	shalt  }
0x44: {  	_ =	shalt  }
0x45: {  	_ =	shalt  }
0x46: {  	_ =	shalt  }
0x47: {  	_ =	shalt  }
0x48: {  	_ =	shalt  }
0x49: {  	_ =	shalt  }
0x4a: {  	_ =	shalt  }
0x4b: {  	_ =	shalt  }
0x4c: {  	_ =	shalt  }
0x4d: {  	_ =	shalt  }
0x4e: {  	_ =	shalt  }
0x4f: {  	_ =	shalt  }
0x50: {  	_ =	shalt  }
0x51: {  	_ =	shalt  }
0x52: {  	_ =	shalt  }
0x53: {  	_ =	shalt  }
0x54: {  	_ =	shalt  }
0x55: {  	_ =	shalt  }
0x56: {  	_ =	shalt  }
0x57: {  	_ =	shalt  }
0x58: {  	_ =	shalt  }
0x59: {  	_ =	shalt  }
0x5a: {  	_ =	shalt  }
0x5b: {  	_ =	shalt  }
0x5c: {  	_ =	shalt  }
0x5d: {  	_ =	shalt  }
0x5e: {  	_ =	shalt  }
0x5f: {  	_ =	shalt  }
0x60: {  	_ =	shalt  }
0x61: {  	_ =	shalt  }
0x62: {  	_ =	shalt  }
0x63: {  	_ =	shalt  }
0x64: {  	_ =	shalt  }
0x65: {  	_ =	shalt  }
0x66: {  	_ =	shalt  }
0x67: {  	_ =	shalt  }
0x68: {  	_ =	shalt  }
0x69: {  	_ =	shalt  }
0x6a: {  	_ =	shalt  }
0x6b: {  	_ =	shalt  }
0x6c: {  	_ =	shalt  }
0x6d: {  	_ =	shalt  }
0x6e: {  	_ =	shalt  }
0x6f: {  	_ =	shalt  }
0x70: {  	_ =	shalt  }
0x71: {  	_ =	shalt  }
0x72: {  	_ =	shalt  }
0x73: {  	_ =	shalt  }
0x74: {  	_ =	shalt  }
0x75: {  	_ =	shalt  }
0x76: {  	_ =	shalt  }
0x77: {  	_ =	shalt  }
0x78: {  	_ =	shalt  }
0x79: {  	_ =	shalt  }
0x7a: {  	_ =	shalt  }
0x7b: {  	_ =	shalt  }
0x7c: {  	_ =	shalt  }
0x7d: {  	_ =	shalt  }
0x7e: {  	_ =	shalt  }
0x7f: {  	_ =	shalt  }
0x80: {  	_ =	shalt  }
0x81: {  	_ =	shalt  }
0x82: {  	_ =	shalt  }
0x83: {  	_ =	shalt  }
0x84: {  	_ =	shalt  }
0x85: {  	_ =	shalt  }
0x86: {  	_ =	shalt  }
0x87: {  	_ =	shalt  }
.Lfunc_end0:
.L_simem_size_0:
called_computation.1_lowered:
.L_overlay_start_0:
0x88: {  	s2 =	sld [smem:$0x3FD9]  }
0x89: {  	s3 =	sld [smem:$0x3FFE];
	_ =	sdelay $0x1  }
0x8a: {  	s1 =	srdreg.scid  }
0x8b: {  	s0 =	sand.u32 $0x1, s1  }
0x8c: {  	s17 =	sshll.u32 s0, $0xA;
	s2 =	sadd.s32 s3, s2  }
0x8d: {  	s2 =	sadd.s32 s2, s17  }
0x8e: {  	[smem:$0x3FC6] =	sst s2  }
0x8f: {  	_ = 	snop  }
0x90: {  	s2 =	sld [smem:$0x3FD0];
	(tm) =	ssettm $0x1  }
0x91: {  	s18 =	sld [smem:$0x3FFB];
	_ =	sdelay $0x3  }
0x92: {  	_ =	strace s18  }
0x93: {  	s3 =	sld [smem:$0x3FFC];
	_ =	sdelay $0x3  }
0x94: {  	_ =	strace s3  }
0x95: {  	s3 =	sld [smem:$0x3FFD];
	_ =	sdelay $0x3  }
0x96: {  	_ =	strace s3  }
0x97: {  	_ =	strace $0x8FFFFFFF  }
0x98: {  	s19 =	sld [smem:$0x3FDB];
	_ =	sdelay $0x1  }
0x99: {  	s4 =	simm.s32 $_scs_section_size  }
0x9a: {  	s5 =	simm.s32 $_size__tile_overlayer_lowered;
	s6 =	simm.s32 $_tile_overlayer_lowered  }
0x9b: {  	s22 =	simm.s32 $0x1BFF;
	s21 =	sshll.u32 s6, $0x1;
	s3 =	sadd.s32 s4, s19  }
0x9c: {  	s7 =	simm.s32 $0x0;
	s20 =	sshll.u32 s5, $0x1;
	s5 =	sadd.s32 s21, s3  }
0x9d: {  	[timem:s7], [sflag:s22] =	dma.local [hbm:s5], s20  }
0x9e: {  	_ =	swait.ge [sflag:s22], s20  }
0x9f: {  	s4 =	ssub.s32 $0x0, s20;
	[sflag:s22] =	ssyncset.done $0x0  }
0xa0: {  	[sflag:s22] =	ssyncadd.s32 s4;
	_ =	sdelay $0x1  }
0xa1: {  	s23 =	simm.s32 $0x1B8B  }
0xa2: {  	_ =	swait.ge [sflag:s23], $0x1  }
0xa3: {  	[sflag:s23] =	ssyncset.done $0x0  }
0xa4: {  	s25 =	simm.s32 $0x1B8E;
	s24 =	sld [smem:$0x3FFE];
	[sflag:s23] =	ssyncadd.s32 $0xFFFFFFFF  }
0xa5: {  	s26 =	simm.s32 $execute0_lowered;
	[smem:$0x3FD2] =	sst s25  }
0xa6: {  	s5 =	sshll.u32 s26, $0x1;
	_ =	strace $0x80000046;
	[dreg:$0x1] =	wrdreg $0xFFFFFFFF  }
0xa7: {  	s28 =	simm.s32 $_size_execute0_lowered;
	s3 =	sadd.s32 s3, s5;
	[dreg:$0x0] =	wrdreg $0x0  }
0xa8: {  	s5 =	sshll.u32 s28, $0x1;
	[dreg:$0x2] =	wrdreg s3  }
0xa9: {  	[dreg:$0x3] =	wrdreg s5  }
0xaa: {  	[dreg:$0x4] =	wrdreg $0xC0  }
0xab: {  	_ =	task [dreg:s7], $0x5FFFF  }
0xac: {  	[dreg:$0x1] =	wrdreg $0xFFFFFFFF  }
0xad: {  	[dreg:$0x0] =	wrdreg $0x60  }
0xae: {  	[dreg:$0x2] =	wrdreg s24  }
0xaf: {  	[dreg:$0x3] =	wrdreg s2  }
0xb0: {  	[dreg:$0x4] =	wrdreg $0x9  }
0xb1: {  	_ =	task.clear_ibuf [dreg:s7], $0x5FFFF;
	_ =	strace $0x90000046  }
0xb2: {  	s29 =	simm.s32 $0x9;
	_ =	strace $0x80000048  }
0xb3: {  	_ =	swait.ge [sflag:s29], $0x1  }
0xb4: {  	[sflag:s29] =	ssyncadd.s32 $0xFFFFFFFF  }
0xb5: {  	_ =	strace $0x90000048  }
0xb6: {  	_ =	sfence  }
0xb7: {  	s30 =	sld [smem:$0x0];
	_ =	sdelay $0x2  }
0xb8: {  	s31 =	sshll.u32 s1, $0xD;
	s1 =	sshrl.u32 s1, $0x2  }
0xb9: {  	s3 =	sand.u32 $0x4000, s31;
	s1 =	sadd.s32 s1, s30  }
0xba: {  	s0 =	sor.u32 s3, s0;
	s1 =	sshll.u32 s1, $0x11  }
0xbb: {  	s0 =	sor.u32 s1, s0  }
0xbc: {  	s0 =	sadd.s32 $0x8F2B, s0  }
0xbd: {  	[sflag:s0] =	ssyncadd.remote.s32 $0x1  }
0xbe: {  	_ =	sfence.sel $0xFFFF  }
0xbf: {  	[dreg:$0x0] =	wrdreg $0xFFFFFFFF;
	(pc) =	sbr.abs _section_cstart, $3  }
0xc0: {  	[dreg:$0x1] =	wrdreg $0xFFFFFFFF  }
0xc1: {  	_ =	task.clear_ibuf [dreg:s7], $0x2FFFF;
	_ =	strace $0x9FFFFFFF  }
0xc2: {  	(tm) =	ssettm $0x7FFFFFFF  }
0xc3: {  	_ =	shalt  }
tec
execute0_lowered:
.L_overlay_start_1:
0x0: {  	(tag) =	ssettag $0x1  }
0x1: {  	s0 =	rddreg [dreg:$0x0]  }
0x2: {  	s1 =	rddreg [dreg:$0x1];
	s3 =	srdreg.scid  }
0x3: {  	s2 =	simm.s32 $0x0;
	s10 =	stileid.u32;
	s12 =	simm.s32 $0x80  }
0x4: {  	s13 =	simm.s32 $0x1000;
	s14 =	simm.s32 $0x5;
	s15 =	simm.s32 $0x500  }
0x5: {  	s16 =	simm.s32 $0x4500;
	s17 =	simm.s32 $0x300;
	s28 =	simm.s32 $0x380  }
0x6: {  	s29 =	simm.s32 $0xE500;
	s30 =	simm.s32 $0x0;
	s31 =	simm.s32 $0xE500  }
0x7: {  	s5 =	sand.u32 $0x1, s3;
	[smem:$0x7FF] =	sst s2;
	s18 =	sshll.u32 s10, $0x8  }
0x8: {  	s3 =	sadd.s32 $0xA00, s0;
	s21 =	sshll.u32 s10, $0xE;
	s10 =	simm.s32 $0x4  }
0x9: {  	s4 =	sshll.u32 s5, $0x7;
	_ =	strace $0x80000047;
	s6 =	ssub.s32 $0x2, s5  }
0xa: {  	s5 =	sshll.u32 s5, $0xD;
	s7 =	sor.u32 s4, s18;
	s8 =	sshrl.u32 s6, $0x1  }
0xb: {  	s4 =	sadd.s32 $0xF42E00, s0;
	s5 =	sor.u32 s5, s21;
	s18 =	simm.s32 $0x2500  }
0xc: {  	s21 =	simm.s32 $0x6500;
	s9 =	sshrl.u32 s7, $0x3;
	s19 =	ssub.s32 s6, s8  }
0xd: {  	s20 =	sshll.u32 s7, $0x3;
	s23 =	sor.u32 $0x140000, s5;
	s24 =	sor.u32 $0xF000, s7  }
0xe: {  	s5 =	sshrl.u32 s5, $0x3;
	s26 =	sor.u32 $0xA000, s7;
	s7 =	simm.s32 $0x2000  }
0xf: {  	s8 =	simm.s32 $0x40000;
	s9 =	sadd.s32 s3, s9;
	s6 =	sadd.s32 s20, s1  }
0x10: {  	s0 =	smax.u32 s19, $0x1;
	s25 =	sadd.s32 s5, s1;
	[dreg:$0xb] =	wrdreg s26  }
0x11: {  	s19 =	simm.s32 $0x100;
	s20 =	simm.s32 $0x180;
	[dreg:$0x5] =	wrdreg s9  }
0x12: {  	s26 =	simm.s32 $0xC500;
	s5 =	simm.s32 $0x2;
	[dreg:$0x9] =	wrdreg s0  }
0x13: {  	s9 =	sadd.s32 $0xA00, s9;
	s22 =	sadd.s32 $0x5F0000, s6;
	[dreg:$0x4] =	wrdreg s25  }
0x14: {  	s6 =	sadd.s32 $0x618000, s6;
	s0 =	sshrl.u32 s24, $0x3;
	[dreg:$0x6] =	wrdreg s9  }
0x15: {  	s25 =	simm.s32 $0x8500;
	s24 =	simm.s32 $0xA500;
	[dreg:$0x7] =	wrdreg s22  }
0x16: {  	[dreg:$0x8] =	wrdreg s6;
	s6 =	sshrl.u32 s23, $0x3;
	s0 =	sadd.s32 s0, s3  }
0x17: {  	s22 =	simm.s32 $0x200;
	s23 =	simm.s32 $0x280;
	s9 =	simm.s32 $0x3  }
0x18: {  	s6 =	sadd.s32 s6, s1;
	[dreg:$0xa] =	wrdreg s0;
	s0 =	simm.s32 $0x400  }
0x19: {  	s1 =	simm.s32 $0x10500;
	[dreg:$0x3] =	wrdreg s6;
	s6 =	simm.s32 $0x1  }
.LBB2_1:
0x1a: {  	[dreg:$0xc] =	wrdreg s30  }
0x1b: {  	s11 =	rddreg [dreg:$0x5]  }
0x1c: {  	[tilespmem:s2], [sflag:$0x5] =	stream.strided.gather [hbm4b:s11+s12], $0x280, s13, s12, $0x38;
	[tilespmem:$0x14500] =	vst v63  }
0x1d: {  	_ =	swait.ge [sflag:s14], $0x280  }
0x1e: {  	[sflag:s14] =	ssyncset.done $0x0  }
0x1f: {  	[sflag:s14] =	ssyncadd.s32 $0xFFFFFD80  }
0x20: {  	[tilespmem:s15], [sflag:$0x1] =	stream.indirect.gather [hbm4b:s4+s12], $0x40, s2, s12, $0xb8;
	[tilespmem:$0x14500] =	vst v63  }
0x21: {  	_ = 	snop  }
0x22: {  	[tilespmem:s18], [sflag:$0x1] =	stream.indirect.gather [hbm4b:s4+s12], $0x40, s12, s12, $0xb8;
	[tilespmem:$0x14500] =	vst v63  }
0x23: {  	_ = 	snop  }
0x24: {  	[tilespmem:s16], [sflag:$0x1] =	stream.indirect.gather [hbm4b:s4+s12], $0x40, s19, s12, $0xb8;
	[tilespmem:$0x14500] =	vst v63  }
0x25: {  	_ = 	snop  }
0x26: {  	[tilespmem:s21], [sflag:$0x1] =	stream.indirect.gather [hbm4b:s4+s12], $0x40, s20, s12, $0xb8;
	[tilespmem:$0x14500] =	vst v63  }
0x27: {  	_ = 	snop  }
0x28: {  	[tilespmem:s25], [sflag:$0x1] =	stream.indirect.gather [hbm4b:s4+s12], $0x40, s22, s12, $0xb8;
	[tilespmem:$0x14500] =	vst v63  }
0x29: {  	s11 =	rddreg [dreg:$0x6]  }
0x2a: {  	[tilespmem:s23], [sflag:$0x5] =	stream.strided.gather [hbm4b:s11+s12], $0x280, s13, s12, $0x38;
	[tilespmem:$0x14500] =	vst v63  }
0x2b: {  	_ =	swait.ge [sflag:s14], $0x280  }
0x2c: {  	[sflag:s14] =	ssyncset.done $0x0  }
0x2d: {  	[sflag:s14] =	ssyncadd.s32 $0xFFFFFD80  }
0x2e: {  	[tilespmem:s24], [sflag:$0x2] =	stream.indirect.gather [hbm4b:s4+s12], $0x40, s23, s12, $0xb8;
	[tilespmem:$0x14500] =	vst v63  }
0x2f: {  	_ = 	snop  }
0x30: {  	[tilespmem:s26], [sflag:$0x2] =	stream.indirect.gather [hbm4b:s4+s12], $0x40, s17, s12, $0xb8;
	[tilespmem:$0x14500] =	vst v63  }
0x31: {  	_ = 	snop  }
0x32: {  	[tilespmem:s29], [sflag:$0x2] =	stream.indirect.gather [hbm4b:s4+s12], $0x40, s28, s12, $0xb8;
	[tilespmem:$0x14500] =	vst v63  }
0x33: {  	_ = 	snop  }
0x34: {  	[tilespmem:s1], [sflag:$0x2] =	stream.indirect.gather [hbm4b:s4+s12], $0x40, s0, s12, $0xb8;
	[tilespmem:$0x14500] =	vst v63  }
0x35: {  	s17 =	simm.s32 $0x480;
	s26 =	simm.s32 $0x12500  }
0x36: {  	[tilespmem:s26], [sflag:$0x2] =	stream.indirect.gather [hbm4b:s4+s12], $0x40, s17, s12, $0xb8;
	[tilespmem:$0x14500] =	vst v63  }
0x37: {  	_ =	swait.ge [sflag:s6], $0x2000  }
0x38: {  	[sflag:s6] =	ssyncset.done $0x0  }
0x39: {  	[sflag:s6] =	ssyncadd.s32 $0xFFFFE000  }
0x3a: {  	_ =	swait.ge [sflag:s6], $0x2000  }
0x3b: {  	[sflag:s6] =	ssyncset.done $0x0  }
0x3c: {  	[sflag:s6] =	ssyncadd.s32 $0xFFFFE000  }
0x3d: {  	_ =	swait.ge [sflag:s6], $0x2000  }
0x3e: {  	[sflag:s6] =	ssyncset.done $0x0  }
0x3f: {  	[sflag:s6] =	ssyncadd.s32 $0xFFFFE000  }
0x40: {  	_ =	swait.ge [sflag:s6], $0x2000  }
0x41: {  	[sflag:s6] =	ssyncset.done $0x0  }
0x42: {  	[sflag:s6] =	ssyncadd.s32 $0xFFFFE000  }
0x43: {  	_ =	swait.ge [sflag:s6], $0x2000  }
0x44: {  	s1 =	rddreg [dreg:$0x4];
	[sflag:s6] =	ssyncset.done $0x0  }
0x45: {  	[sflag:s6] =	ssyncadd.s32 $0xFFFFE000;
	s11 =	sadd.s32 $0x0, s1  }
0x46: {  	[hbm4b:s11+s7] =	stream.strided.scatter [tilespmem:s15], [sflag:$0x3], $0xA000, s8, s7, $0x38;
	[tilespmem:$0x14500] =	vst v63  }
0x47: {  	_ =	swait.ge [sflag:s5], $0x2000  }
0x48: {  	[sflag:s5] =	ssyncset.done $0x0  }
0x49: {  	[sflag:s5] =	ssyncadd.s32 $0xFFFFE000  }
0x4a: {  	_ =	swait.ge [sflag:s5], $0x2000  }
0x4b: {  	[sflag:s5] =	ssyncset.done $0x0  }
0x4c: {  	[sflag:s5] =	ssyncadd.s32 $0xFFFFE000  }
0x4d: {  	_ =	swait.ge [sflag:s5], $0x2000  }
0x4e: {  	[sflag:s5] =	ssyncset.done $0x0  }
0x4f: {  	[sflag:s5] =	ssyncadd.s32 $0xFFFFE000  }
0x50: {  	_ =	swait.ge [sflag:s5], $0x2000  }
0x51: {  	[sflag:s5] =	ssyncset.done $0x0  }
0x52: {  	[sflag:s5] =	ssyncadd.s32 $0xFFFFE000  }
0x53: {  	_ =	swait.ge [sflag:s5], $0x2000  }
0x54: {  	s17 =	rddreg [dreg:$0x3];
	[sflag:s5] =	ssyncset.done $0x0  }
0x55: {  	[sflag:s5] =	ssyncadd.s32 $0xFFFFE000;
	s11 =	sadd.s32 $0x0, s17  }
0x56: {  	[hbm4b:s11+s7] =	stream.strided.scatter [tilespmem:s24], [sflag:$0x4], $0xA000, s8, s7, $0x38;
	[tilespmem:$0x14500] =	vst v63  }
0x57: {  	_ =	swait.ge [sflag:s9], $0xA000  }
0x58: {  	s17 =	rddreg [dreg:$0xb]  }
0x59: {  	[sflag:s9] =	ssyncset.done $0x0;
	s26 =	sshrl.u32 s17, $0x3  }
0x5a: {  	[sflag:s9] =	ssyncadd.s32 $0xFFFF6000;
	s11 =	sadd.s32 s3, s26  }
0x5b: {  	[tilespmem:s2], [sflag:$0x5] =	stream.strided.gather [hbm4b:s11+s12], $0x280, s13, s12, $0x38;
	[tilespmem:$0x14500] =	vst v63  }
0x5c: {  	_ =	swait.ge [sflag:s14], $0x280  }
0x5d: {  	[sflag:s14] =	ssyncset.done $0x0  }
0x5e: {  	[sflag:s14] =	ssyncadd.s32 $0xFFFFFD80  }
0x5f: {  	[tilespmem:s15], [sflag:$0x1] =	stream.indirect.gather [hbm4b:s4+s12], $0x40, s2, s12, $0xb8;
	[tilespmem:$0x14500] =	vst v63  }
0x60: {  	_ = 	snop  }
0x61: {  	[tilespmem:s18], [sflag:$0x1] =	stream.indirect.gather [hbm4b:s4+s12], $0x40, s12, s12, $0xb8;
	[tilespmem:$0x14500] =	vst v63  }
0x62: {  	_ = 	snop  }
0x63: {  	[tilespmem:s16], [sflag:$0x1] =	stream.indirect.gather [hbm4b:s4+s12], $0x40, s19, s12, $0xb8;
	[tilespmem:$0x14500] =	vst v63  }
0x64: {  	_ = 	snop  }
0x65: {  	[tilespmem:s21], [sflag:$0x1] =	stream.indirect.gather [hbm4b:s4+s12], $0x40, s20, s12, $0xb8;
	[tilespmem:$0x14500] =	vst v63  }
0x66: {  	_ = 	snop  }
0x67: {  	[tilespmem:s25], [sflag:$0x1] =	stream.indirect.gather [hbm4b:s4+s12], $0x40, s22, s12, $0xb8;
	[tilespmem:$0x14500] =	vst v63  }
0x68: {  	_ =	swait.ge [sflag:s10], $0xA000  }
0x69: {  	[sflag:s10] =	ssyncset.done $0x0  }
0x6a: {  	s19 =	rddreg [dreg:$0xa];
	[sflag:s10] =	ssyncadd.s32 $0xFFFF6000  }
0x6b: {  	[tilespmem:s23], [sflag:$0x5] =	stream.strided.gather [hbm4b:s19+s12], $0x280, s13, s12, $0x38;
	[tilespmem:$0x14500] =	vst v63  }
0x6c: {  	_ =	swait.ge [sflag:s14], $0x280  }
0x6d: {  	s30 =	simm.s32 $0x380;
	s28 =	simm.s32 $0x300;
	[sflag:s14] =	ssyncset.done $0x0  }
0x6e: {  	s29 =	simm.s32 $0xC500;
	s0 =	simm.s32 $0x400;
	[sflag:s14] =	ssyncadd.s32 $0xFFFFFD80  }
0x6f: {  	[tilespmem:s24], [sflag:$0x2] =	stream.indirect.gather [hbm4b:s4+s12], $0x40, s23, s12, $0xb8;
	[tilespmem:$0x14500] =	vst v63  }
0x70: {  	s1 =	simm.s32 $0x10500;
	s17 =	sadd.s32 $0xA000, s17;
	s26 =	simm.s32 $0x8500  }
0x71: {  	[tilespmem:s29], [sflag:$0x2] =	stream.indirect.gather [hbm4b:s4+s12], $0x40, s28, s12, $0xb8;
	[tilespmem:$0x14500] =	vst v63  }
0x72: {  	s11 =	simm.s32 $0x50000;
	s21 =	simm.s32 $0x180;
	s20 =	simm.s32 $0x4500  }
0x73: {  	[tilespmem:s31], [sflag:$0x2] =	stream.indirect.gather [hbm4b:s4+s12], $0x40, s30, s12, $0xb8;
	[tilespmem:$0x14500] =	vst v63  }
0x74: {  	s25 =	simm.s32 $0x200;
	s22 =	simm.s32 $0x6500;
	s16 =	sadd.s32 $0x1400, s19  }
0x75: {  	[tilespmem:s1], [sflag:$0x2] =	stream.indirect.gather [hbm4b:s4+s12], $0x40, s0, s12, $0xb8;
	[tilespmem:$0x14500] =	vst v63  }
.LBB2_2:
0x76: {  	s18 =	simm.s32 $0x480;
	s19 =	simm.s32 $0x12500  }
0x77: {  	[tilespmem:s19], [sflag:$0x2] =	stream.indirect.gather [hbm4b:s4+s12], $0x40, s18, s12, $0xb8;
	[tilespmem:$0x14500] =	vst v63  }
0x78: {  	_ =	swait.ge [sflag:s6], $0x2000  }
0x79: {  	[sflag:s6] =	ssyncset.done $0x0  }
0x7a: {  	[sflag:s6] =	ssyncadd.s32 $0xFFFFE000  }
0x7b: {  	_ =	swait.ge [sflag:s6], $0x2000  }
0x7c: {  	[sflag:s6] =	ssyncset.done $0x0  }
0x7d: {  	[sflag:s6] =	ssyncadd.s32 $0xFFFFE000  }
0x7e: {  	_ =	swait.ge [sflag:s6], $0x2000  }
0x7f: {  	[sflag:s6] =	ssyncset.done $0x0  }
0x80: {  	[sflag:s6] =	ssyncadd.s32 $0xFFFFE000  }
0x81: {  	_ =	swait.ge [sflag:s6], $0x2000  }
0x82: {  	[sflag:s6] =	ssyncset.done $0x0  }
0x83: {  	[sflag:s6] =	ssyncadd.s32 $0xFFFFE000  }
0x84: {  	_ =	swait.ge [sflag:s6], $0x2000  }
0x85: {  	s18 =	smov.u32 s11;
	s19 =	rddreg [dreg:$0x4];
	[sflag:s6] =	ssyncset.done $0x0  }
0x86: {  	[sflag:s6] =	ssyncadd.s32 $0xFFFFE000;
	s19 =	sadd.s32 s18, s19  }
0x87: {  	[hbm4b:s19+s7] =	stream.strided.scatter [tilespmem:s15], [sflag:$0x3], $0xA000, s8, s7, $0x38;
	[tilespmem:$0x14500] =	vst v63  }
0x88: {  	_ =	swait.ge [sflag:s5], $0x2000  }
0x89: {  	[sflag:s5] =	ssyncset.done $0x0  }
0x8a: {  	[sflag:s5] =	ssyncadd.s32 $0xFFFFE000  }
0x8b: {  	_ =	swait.ge [sflag:s5], $0x2000  }
0x8c: {  	[sflag:s5] =	ssyncset.done $0x0  }
0x8d: {  	[sflag:s5] =	ssyncadd.s32 $0xFFFFE000  }
0x8e: {  	_ =	swait.ge [sflag:s5], $0x2000  }
0x8f: {  	[sflag:s5] =	ssyncset.done $0x0  }
0x90: {  	[sflag:s5] =	ssyncadd.s32 $0xFFFFE000  }
0x91: {  	_ =	swait.ge [sflag:s5], $0x2000  }
0x92: {  	[sflag:s5] =	ssyncset.done $0x0  }
0x93: {  	[sflag:s5] =	ssyncadd.s32 $0xFFFFE000  }
0x94: {  	_ =	swait.ge [sflag:s5], $0x2000  }
0x95: {  	s19 =	rddreg [dreg:$0x3];
	[sflag:s5] =	ssyncset.done $0x0  }
0x96: {  	[sflag:s5] =	ssyncadd.s32 $0xFFFFE000;
	s18 =	sadd.s32 s18, s19  }
0x97: {  	[hbm4b:s18+s7] =	stream.strided.scatter [tilespmem:s24], [sflag:$0x4], $0xA000, s8, s7, $0x38;
	[tilespmem:$0x14500] =	vst v63  }
0x98: {  	_ =	swait.ge [sflag:s9], $0xA000  }
0x99: {  	s18 =	sshrl.u32 s17, $0x3;
	[sflag:s9] =	ssyncset.done $0x0  }
0x9a: {  	s18 =	sadd.s32 s3, s18;
	[sflag:s9] =	ssyncadd.s32 $0xFFFF6000  }
0x9b: {  	[tilespmem:s2], [sflag:$0x5] =	stream.strided.gather [hbm4b:s18+s12], $0x280, s13, s12, $0x38;
	[tilespmem:$0x14500] =	vst v63  }
0x9c: {  	_ =	swait.ge [sflag:s14], $0x280  }
0x9d: {  	[sflag:s14] =	ssyncset.done $0x0  }
0x9e: {  	[sflag:s14] =	ssyncadd.s32 $0xFFFFFD80  }
0x9f: {  	[tilespmem:s15], [sflag:$0x1] =	stream.indirect.gather [hbm4b:s4+s12], $0x40, s2, s12, $0xb8;
	[tilespmem:$0x14500] =	vst v63  }
0xa0: {  	s18 =	simm.s32 $0x2500  }
0xa1: {  	[tilespmem:s18], [sflag:$0x1] =	stream.indirect.gather [hbm4b:s4+s12], $0x40, s12, s12, $0xb8;
	[tilespmem:$0x14500] =	vst v63  }
0xa2: {  	s19 =	simm.s32 $0x100  }
0xa3: {  	[tilespmem:s20], [sflag:$0x1] =	stream.indirect.gather [hbm4b:s4+s12], $0x40, s19, s12, $0xb8;
	[tilespmem:$0x14500] =	vst v63  }
0xa4: {  	_ = 	snop  }
0xa5: {  	[tilespmem:s22], [sflag:$0x1] =	stream.indirect.gather [hbm4b:s4+s12], $0x40, s21, s12, $0xb8;
	[tilespmem:$0x14500] =	vst v63  }
0xa6: {  	_ = 	snop  }
0xa7: {  	[tilespmem:s26], [sflag:$0x1] =	stream.indirect.gather [hbm4b:s4+s12], $0x40, s25, s12, $0xb8;
	[tilespmem:$0x14500] =	vst v63  }
0xa8: {  	_ =	swait.ge [sflag:s10], $0xA000  }
0xa9: {  	[sflag:s10] =	ssyncset.done $0x0  }
0xaa: {  	[sflag:s10] =	ssyncadd.s32 $0xFFFF6000  }
0xab: {  	[tilespmem:s23], [sflag:$0x5] =	stream.strided.gather [hbm4b:s16+s12], $0x280, s13, s12, $0x38;
	[tilespmem:$0x14500] =	vst v63  }
0xac: {  	_ =	swait.ge [sflag:s14], $0x280  }
0xad: {  	[sflag:s14] =	ssyncset.done $0x0  }
0xae: {  	[sflag:s14] =	ssyncadd.s32 $0xFFFFFD80  }
0xaf: {  	[tilespmem:s24], [sflag:$0x2] =	stream.indirect.gather [hbm4b:s4+s12], $0x40, s23, s12, $0xb8;
	[tilespmem:$0x14500] =	vst v63  }
0xb0: {  	p0 =	sne.s32 s11, $0x5A0000  }
0xb1: {  	[tilespmem:s29], [sflag:$0x2] =	stream.indirect.gather [hbm4b:s4+s12], $0x40, s28, s12, $0xb8;
	[tilespmem:$0x14500] =	vst v63  }
.Ltmp0:
0xb2: {  	_ = 	snop;
	(pc) =	sbr.rel @p0 .LBB2_2-.Ltmp0, $4  }
0xb3: {  	_ = 	snop  }
0xb4: {  	[tilespmem:s31], [sflag:$0x2] =	stream.indirect.gather [hbm4b:s4+s12], $0x40, s30, s12, $0xb8;
	[tilespmem:$0x14500] =	vst v63  }
0xb5: {  	s11 =	sadd.s32 $0x50000, s11;
	s17 =	sadd.s32 $0xA000, s17;
	s16 =	sadd.s32 $0x1400, s16  }
0xb6: {  	[tilespmem:s1], [sflag:$0x2] =	stream.indirect.gather [hbm4b:s4+s12], $0x40, s0, s12, $0xb8;
	[tilespmem:$0x14500] =	vst v63  }
0xb7: {  	s0 =	simm.s32 $0x480;
	s1 =	simm.s32 $0x12500  }
0xb8: {  	[tilespmem:s1], [sflag:$0x2] =	stream.indirect.gather [hbm4b:s4+s12], $0x40, s0, s12, $0xb8;
	[tilespmem:$0x14500] =	vst v63  }
0xb9: {  	_ =	swait.ge [sflag:s6], $0x2000  }
0xba: {  	[sflag:s6] =	ssyncset.done $0x0  }
0xbb: {  	[sflag:s6] =	ssyncadd.s32 $0xFFFFE000  }
0xbc: {  	_ =	swait.ge [sflag:s6], $0x2000  }
0xbd: {  	[sflag:s6] =	ssyncset.done $0x0  }
0xbe: {  	[sflag:s6] =	ssyncadd.s32 $0xFFFFE000  }
0xbf: {  	_ =	swait.ge [sflag:s6], $0x2000  }
0xc0: {  	[sflag:s6] =	ssyncset.done $0x0  }
0xc1: {  	[sflag:s6] =	ssyncadd.s32 $0xFFFFE000  }
0xc2: {  	_ =	swait.ge [sflag:s6], $0x2000  }
0xc3: {  	[sflag:s6] =	ssyncset.done $0x0  }
0xc4: {  	[sflag:s6] =	ssyncadd.s32 $0xFFFFE000  }
0xc5: {  	_ =	swait.ge [sflag:s6], $0x2000  }
0xc6: {  	[sflag:s6] =	ssyncset.done $0x0  }
0xc7: {  	s11 =	rddreg [dreg:$0x7];
	[sflag:s6] =	ssyncadd.s32 $0xFFFFE000  }
0xc8: {  	[hbm4b:s11+s7] =	stream.strided.scatter [tilespmem:s15], [sflag:$0x3], $0xA000, s8, s7, $0x38;
	[tilespmem:$0x14500] =	vst v63  }
0xc9: {  	_ =	swait.ge [sflag:s5], $0x2000  }
0xca: {  	[sflag:s5] =	ssyncset.done $0x0  }
0xcb: {  	[sflag:s5] =	ssyncadd.s32 $0xFFFFE000  }
0xcc: {  	_ =	swait.ge [sflag:s5], $0x2000  }
0xcd: {  	[sflag:s5] =	ssyncset.done $0x0  }
0xce: {  	[sflag:s5] =	ssyncadd.s32 $0xFFFFE000  }
0xcf: {  	_ =	swait.ge [sflag:s5], $0x2000  }
0xd0: {  	[sflag:s5] =	ssyncset.done $0x0  }
0xd1: {  	[sflag:s5] =	ssyncadd.s32 $0xFFFFE000  }
0xd2: {  	_ =	swait.ge [sflag:s5], $0x2000  }
0xd3: {  	[sflag:s5] =	ssyncset.done $0x0  }
0xd4: {  	[sflag:s5] =	ssyncadd.s32 $0xFFFFE000  }
0xd5: {  	_ =	swait.ge [sflag:s5], $0x2000  }
0xd6: {  	[sflag:s5] =	ssyncset.done $0x0  }
0xd7: {  	s25 =	rddreg [dreg:$0x8];
	[sflag:s5] =	ssyncadd.s32 $0xFFFFE000  }
0xd8: {  	[hbm4b:s25+s7] =	stream.strided.scatter [tilespmem:s24], [sflag:$0x4], $0xA000, s8, s7, $0x38;
	[tilespmem:$0x14500] =	vst v63  }
0xd9: {  	_ =	swait.ge [sflag:s9], $0xA000  }
0xda: {  	[sflag:s9] =	ssyncset.done $0x0  }
0xdb: {  	[sflag:s9] =	ssyncadd.s32 $0xFFFF6000  }
0xdc: {  	_ =	swait.ge [sflag:s10], $0xA000  }
0xdd: {  	s30 =	rddreg [dreg:$0xc]  }
0xde: {  	s26 =	rddreg [dreg:$0x9];
	s30 =	sadd.s32 $0x1, s30  }
0xdf: {  	p0 =	sne.s32 s30, s26  }
.Ltmp1:
0xe0: {  	s16 =	simm.s32 $0x4500;
	(pc) =	sbr.rel @p0 .LBB2_1-.Ltmp1, $4  }
0xe1: {  	s20 =	simm.s32 $0x180;
	s21 =	simm.s32 $0x6500;
	s22 =	simm.s32 $0x200  }
0xe2: {  	s17 =	simm.s32 $0x300;
	s28 =	simm.s32 $0x380;
	s29 =	simm.s32 $0xE500  }
0xe3: {  	s0 =	simm.s32 $0x400;
	s1 =	simm.s32 $0x10500;
	[sflag:s10] =	ssyncset.done $0x0  }
0xe4: {  	s25 =	simm.s32 $0x8500;
	[sflag:s10] =	ssyncadd.s32 $0xFFFF6000;
	s26 =	simm.s32 $0xC500  }
0xe5: {  	_ =	sfence.sel $0x180000  }
0xe6: {  	[bflag:$0x0] =	sbarrier.arrive $0xFFFF  }
0xe7: {  	_ =	strace $0x90000047  }
0xe8: {  	s0 =	stileid.u32;
	[bflag:$0x2] =	sbarrier.arrive $0xFFFF  }
0xe9: {  	p0 =	sne.s32 s0, $0x0;
	s0 =	rddreg [dreg:$0x2]  }
0xea: {  	s0 =	sadd.s32 @!p0 $0x100000, s0  }
0xeb: {  	[sflag:s0] =	ssyncadd.tile.s32 @!p0 $0x1;
	_ =	shalt  }
.Lfunc_end2:
_tile_overlayer_lowered:
.L_overlay_start_2:
0xec: {  	(tag) =	ssettag $0x2  }
0xed: {  	s0 =	rddreg [dreg:$0x0];
	s2 =	stileid.u32  }
0xee: {  	s1 =	rddreg [dreg:$0x1];
	p0 =	sne.s32 s2, $0x0  }
0xef: {  	s3 =	rddreg [dreg:$0x2];
	[bflag:$0x3] =	sbarrier.arrive $0xFFFF;
	s2 =	simm.s32 @!p0 $0x1C05  }
0xf0: {  	[timem:s3], [sflag:s2] =	dma.local @!p0 [hbm:s0], s1  }
0xf1: {  	s0 =	simm.s32 @!p0 $0x5  }
0xf2: {  	_ =	swait.ge @!p0 [sflag:s0], s1  }
0xf3: {  	s1 =	ssub.s32 @!p0 $0x0, s1;
	[sflag:s0] =	ssyncset.done @!p0 $0x0  }
0xf4: {  	[sflag:s0] =	ssyncadd.s32 @!p0 s1  }
0xf5: {  	[bflag:$0x3] =	sbarrier.arrive $0xFFFF  }
0xf6: {  	_ =	shalt  }

// kernel: sparse-core-data-format-call.cloned.1.call-start
scs
called_computation_lowered:
.L_overlay_start_0:
0x0: {  	s2 =	sld [smem:$0x3FD9]  }
0x1: {  	s3 =	sld [smem:$0x3FFE];
	_ =	sdelay $0x1  }
0x2: {  	s1 =	srdreg.scid  }
0x3: {  	s0 =	sand.u32 $0x1, s1  }
0x4: {  	s18 =	sshll.u32 s0, $0xA;
	s2 =	sadd.s32 s3, s2  }
0x5: {  	s2 =	sadd.s32 s2, s18  }
0x6: {  	[smem:$0x3FC6] =	sst s2  }
0x7: {  	_ = 	snop  }
0x8: {  	s2 =	sld [smem:$0x3FD0];
	(tm) =	ssettm $0x1  }
0x9: {  	s19 =	sld [smem:$0x3FFB];
	_ =	sdelay $0x3  }
0xa: {  	_ =	strace s19  }
0xb: {  	s3 =	sld [smem:$0x3FFC];
	_ =	sdelay $0x3  }
0xc: {  	_ =	strace s3  }
0xd: {  	s3 =	sld [smem:$0x3FFD];
	_ =	sdelay $0x3  }
0xe: {  	_ =	strace s3  }
0xf: {  	_ =	strace $0x8FFFFFFF  }
0x10: {  	s20 =	sld [smem:$0x3FDB];
	_ =	sdelay $0x1  }
0x11: {  	s4 =	simm.s32 $_scs_section_size  }
0x12: {  	s5 =	simm.s32 $_size__tile_overlayer_lowered;
	s6 =	simm.s32 $_tile_overlayer_lowered  }
0x13: {  	s23 =	simm.s32 $0x1BFF;
	s22 =	sshll.u32 s6, $0x1;
	s3 =	sadd.s32 s4, s20  }
0x14: {  	s7 =	simm.s32 $0x0;
	s21 =	sshll.u32 s5, $0x1;
	s5 =	sadd.s32 s22, s3  }
0x15: {  	[timem:s7], [sflag:s23] =	dma.local [hbm:s5], s21  }
0x16: {  	_ =	swait.ge [sflag:s23], s21  }
0x17: {  	s4 =	ssub.s32 $0x0, s21;
	[sflag:s23] =	ssyncset.done $0x0  }
0x18: {  	[sflag:s23] =	ssyncadd.s32 s4;
	_ =	sdelay $0x1  }
0x19: {  	s24 =	simm.s32 $0x1B8B  }
0x1a: {  	_ =	swait.ge [sflag:s24], $0x1  }
0x1b: {  	[sflag:s24] =	ssyncset.done $0x0  }
0x1c: {  	s26 =	simm.s32 $0x1B8E;
	s25 =	sld [smem:$0x3FFE];
	[sflag:s24] =	ssyncadd.s32 $0xFFFFFFFF  }
0x1d: {  	s27 =	simm.s32 $execute0_lowered;
	[smem:$0x3FD2] =	sst s26  }
0x1e: {  	s5 =	sshll.u32 s27, $0x1;
	_ =	strace $0x80000049;
	[dreg:$0x1] =	wrdreg $0xFFFFFFFF  }
0x1f: {  	s28 =	simm.s32 $_size_execute0_lowered;
	s3 =	sadd.s32 s3, s5;
	[dreg:$0x0] =	wrdreg $0x0  }
0x20: {  	s5 =	sshll.u32 s28, $0x1;
	[dreg:$0x2] =	wrdreg s3  }
0x21: {  	[dreg:$0x3] =	wrdreg s5  }
0x22: {  	[dreg:$0x4] =	wrdreg $0xC0  }
0x23: {  	_ =	task [dreg:s7], $0x5FFFF  }
0x24: {  	[dreg:$0x1] =	wrdreg $0xFFFFFFFF  }
0x25: {  	[dreg:$0x0] =	wrdreg $0x60  }
0x26: {  	[dreg:$0x2] =	wrdreg s25  }
0x27: {  	[dreg:$0x3] =	wrdreg s2  }
0x28: {  	[dreg:$0x4] =	wrdreg $0x9  }
0x29: {  	_ =	task.clear_ibuf [dreg:s7], $0x5FFFF;
	_ =	strace $0x90000049  }
0x2a: {  	s29 =	simm.s32 $0x9;
	_ =	strace $0x8000004B  }
0x2b: {  	_ =	swait.ge [sflag:s29], $0x1  }
0x2c: {  	[sflag:s29] =	ssyncadd.s32 $0xFFFFFFFF  }
0x2d: {  	_ =	strace $0x9000004B  }
0x2e: {  	_ =	sfence  }
0x2f: {  	s30 =	sld [smem:$0x0];
	_ =	sdelay $0x2  }
0x30: {  	s31 =	sshll.u32 s1, $0xD;
	s1 =	sshrl.u32 s1, $0x2  }
0x31: {  	s3 =	sand.u32 $0x4000, s31;
	s1 =	sadd.s32 s1, s30  }
0x32: {  	s0 =	sor.u32 s3, s0;
	s1 =	sshll.u32 s1, $0x11  }
0x33: {  	s0 =	sor.u32 s1, s0  }
0x34: {  	s0 =	sadd.s32 $0x8F2B, s0  }
0x35: {  	[sflag:s0] =	ssyncadd.remote.s32 $0x1  }
0x36: {  	_ =	sfence.sel $0xFFFF  }
0x37: {  	[dreg:$0x0] =	wrdreg $0xFFFFFFFF;
	(pc) =	sbr.abs _section_cstart, $3  }
0x38: {  	[dreg:$0x1] =	wrdreg $0xFFFFFFFF  }
0x39: {  	_ =	task.clear_ibuf [dreg:s7], $0x2FFFF;
	_ =	strace $0x9FFFFFFF  }
0x3a: {  	(tm) =	ssettm $0x7FFFFFFF  }
0x3b: {  	_ =	shalt  }
tec
execute0_lowered:
.L_overlay_start_1:
0x0: {  	(tag) =	ssettag $0x1  }
0x1: {  	s0 =	srdreg.scid  }
0x2: {  	s1 =	sshll.u32 s0, $0x4  }
0x3: {  	s5 =	rddreg [dreg:$0x0];
	s0 =	stileid.u32;
	s1 =	sand.u32 $0x10, s1  }
0x4: {  	s3 =	rddreg [dreg:$0x1];
	s31 =	simm.s32 $0x2;
	s4 =	sor.u32 s0, s1  }
0x5: {  	s13 =	simm.s32 $0x0;
	s9 =	simm.s32 $0x400;
	s2 =	sshll.u32 s4, $0x7  }
0x6: {  	s10 =	simm.s32 $0x8000;
	s14 =	simm.s32 $0x0;
	s6 =	ssub.s32 $0x1000, s2  }
0x7: {  	s1 =	rddreg [dreg:$0x2];
	_ =	strace $0x8000004A;
	s7 =	sand.u32 $0xF80, s6  }
0x8: {  	s4 =	sshll.u32 s4, $0xB;
	p0 =	sne.s32 s7, $0x0;
	s7 =	simm.s32 $0x1  }
.Ltmp0:
0x9: {  	s6 =	sshrl.u32 s6, $0xC;
	s7 =	simm.s32 @!p0 $0x0;
	(pc) =	sbr.rel .LBB1_1-.Ltmp0, $4  }
0xa: {  	s8 =	sadd.s32 s4, s5;
	s4 =	simm.s32 $0x1;
	s30 =	sadd.s32 s7, s6  }
0xb: {  	s11 =	simm.s32 $0x0;
	[sflag:s4] =	ssyncpa.u1 $0x0;
	s5 =	smul.u32 $0x64, s30  }
0xc: {  	s12 =	simm.s32 $0x0;
	[sflag:s31] =	ssyncpa.u1 $0x0;
	p0 =	por $0x0, $0x0  }
0xd: {  	s6 =	sadd.s32 $0xA00, s8;
	s7 =	sadd.s32 $0x10A00, s8;
	s8 =	sor.u32 $0x1, s5  }
.LBB1_7:
0xe: {  	s15 =	sadd.s32 $0x2, s11  }
0xf: {  	p2 =	sgt.s32 s15, $0xC7  }
0x10: {  	s15 =	simm.s32 @p2 $0x0;
	p2 =	sne.s32 s12, s8  }
.Ltmp1:
0x11: {  	p1 =	slt.u32 s12, $0x2;
	(pc) =	sbr.rel @!p2 .LBB1_8-.Ltmp1, $4  }
0x12: {  	s13 =	simm.s32 @!p1 $0x2  }
0x13: {  	s16 =	sadd.s32 $0x1, s12;
	s14 =	smov.u32 s11;
	_ =	swait.ge @!p1 [sflag:s13], $0x4000  }
0x14: {  	p0 =	por !p0, !p0;
	s12 =	smov.u32 s16;
	[sflag:s13] =	ssyncset.done @!p1 $0x0  }
0x15: {  	s11 =	smov.u32 s15;
	[sflag:s13] =	ssyncadd.s32 @!p1 $0xFFFFC000;
	s13 =	smov.u32 s2  }
.LBB1_1:
0x16: {  	p1 =	sge.u32 s12, s5  }
0x17: {  	s15 =	sxor.u32 @!p1 $0xFFFFFFFF, s12  }
0x18: {  	s16 =	sshll.u32 @!p1 s11, $0x10;
	s18 =	simm.s32 @!p1 $0x40;
	s15 =	sshll.u32 @!p1 s15, $0xE  }
0x19: {  	s19 =	simm.s32 @!p1 $0x80;
	s17 =	sadd.s32 @!p1 s16, s6;
	s15 =	sand.u32 @!p1 $0x4000, s15  }
0x1a: {  	[tilespmem:s15], [sflag:$0x1] =	stream.strided.gather @!p1 [hbm4b:s17+s18], $0x2000, s19, s18, $0x38;
	[tilespmem:$0x10100] =	vst v63  }
0x1b: {  	s31 =	sadd.s32 $0xFFFFFFFF, s12;
	s16 =	sadd.s32 @!p1 s16, s7;
	s15 =	sor.u32 @!p1 $0x2000, s15  }
0x1c: {  	[tilespmem:s15], [sflag:$0x1] =	stream.strided.gather @!p1 [hbm4b:s16+s18], $0x2000, s19, s18, $0x38;
	[tilespmem:$0x10100] =	vst v63  }
0x1d: {  	p1 =	sge.u32 s31, s5  }
.Ltmp2:
0x1e: {  	_ = 	snop;
	(pc) =	sbr.rel @p1 .LBB1_7-.Ltmp2, $1  }
0x1f: {  	_ =	sdelay $0x3  }
0x20: {  	s15 =	simm.s32 $0x1;
	s17 =	sand.u32 $0x1, s12  }
0x21: {  	_ =	swait.ge [sflag:s4], $0x4000;
	s15 =	simm.s32 @!p0 $0x0;
	s17 =	smul.u32 $0x10200, s17  }
0x22: {  	p2 =	por $0x1, $0x1;
	[sflag:s4] =	ssyncset.done $0x0;
	s16 =	smul.u32 $0x10200, s15  }
0x23: {  	s18 =	sshll.u32 s15, $0x10;
	[sflag:s4] =	ssyncadd.s32 $0xFFFFC000;
	s30 =	sshrl.u32 s17, $0x2  }
0x24: {  	s31 =	sshrl.u32 s18, $0x2;
	s18 =	simm.s32 $0x0;
	s16 =	sshrl.u32 s16, $0x2  }
0x25: {  	s15 =	sor.u32 $0x8000, s30;
	s17 =	sadd.s32 $0x20, s31;
	s16 =	sor.u32 $0x8000, s16  }
.LBB1_3:
0x26: {  	s19 =	sshll.u32 s18, $0xD  }
0x27: {  	s19 =	sand.u32 $0x3FFFE000, s19  }
0x28: {  	s21 =	sadd.s32 s19, s17  }
0x29: {  	s31 =	smul.u32 $0x8100, s18;
	v3 =	vld [tilespmem:s21+$0x10]  }
0x2a: {  	v1 =	vld [tilespmem:s21+$0xFFFFFFF0]  }
0x2b: {  	s18 =	sshra.s32 s31, $0x2;
	v0 =	vld [tilespmem:s21+$0x0]  }
0x2c: {  	s18 =	sadd.s32 s18, s16;
	v2 =	vld [tilespmem:s21+$0xFFFFFFE0]  }
0x2d: {  	s19 =	sadd.s32 $0x0, s18  }
0x2e: {  	p1 =	por p2, p2;
	s20 =	simm.s32 $0x4;
	s21 =	sadd.s32 $0x40, s21;
	[tilespmem:s19+$0x1830 ss:$0x81] =	vst.msk $0xffff, v3  }
.LBB1_4:
0x2f: {  	v3 =	vld [tilespmem:s21+$0x10];
	p2 =	sne.s32 s20, $0x1FC;
	[tilespmem:s19+$0x810 ss:$0x81] =	vst.msk $0xffff, v1;
	s22 =	smov.u32 s20;
	s20 =	sadd.s32 $0x4, s20  }
.Ltmp3:
0x30: {  	v1 =	vld [tilespmem:s21+$0xFFFFFFF0];
	[tilespmem:s19+$0x1020 ss:$0x81] =	vst.msk $0xffff, v0;
	(pc) =	sbr.rel @p2 .LBB1_4-.Ltmp3, $4  }
0x31: {  	v0 =	vld [tilespmem:s21+$0x0];
	[tilespmem:s19+$0x0 ss:$0x81] =	vst.msk $0xffff, v2  }
0x32: {  	s19 =	sshra.s32 s22, $0x2;
	v2 =	vld [tilespmem:s21+$0xFFFFFFE0]  }
0x33: {  	s19 =	sadd.s32 s19, s18  }
0x34: {  	s21 =	sadd.s32 $0x40, s21;
	[tilespmem:s19+$0x1830 ss:$0x81] =	vst.msk $0xffff, v3  }
.Ltmp4:
0x35: {  	(pc) =	sbr.rel @p1 .LBB1_3-.Ltmp4, $4  }
0x36: {  	_ = 	snop  }
0x37: {  	[tilespmem:s19+$0x810 ss:$0x81] =	vst.msk $0xffff, v1  }
0x38: {  	[tilespmem:s19+$0x1020 ss:$0x81] =	vst.msk $0xffff, v0  }
0x39: {  	s18 =	simm.s32 $0x1;
	p2 =	por $0x0, $0x0;
	[tilespmem:s19+$0x0 ss:$0x81] =	vst.msk $0xffff, v2  }
.Ltmp5:
0x3a: {  	(pc) =	sbr.rel .LBB1_7-.Ltmp5, $4  }
0x3b: {  	s14 =	sshll.u32 s14, $0xF  }
0x3c: {  	s14 =	sadd.s32 s3, s14  }
0x3d: {  	s13 =	sadd.s32 s13, s14  }
0x3e: {  	[hbm4b:s13+s9] =	stream.strided.scatter [tilespmem:s15], [sflag:$0x2], $0x4000, s10, s9, $0x20;
	[tilespmem:$0x10100] =	vst v63  }
.LBB1_8:
0x3f: {  	_ =	sfence.sel $0x180000  }
0x40: {  	s2 =	simm.s32 $0x1;
	[bflag:$0x0] =	sbarrier.arrive $0xFFFF  }
0x41: {  	s31 =	simm.s32 $0x2;
	[sflag:s2] =	ssyncpa.u1 $0x1  }
0x42: {  	[sflag:s31] =	ssyncpa.u1 $0x1  }
0x43: {  	p0 =	sne.s32 s0, $0x0;
	_ =	strace $0x9000004A  }
0x44: {  	s0 =	sadd.s32 @!p0 $0x100000, s1;
	[bflag:$0x2] =	sbarrier.arrive $0xFFFF  }
0x45: {  	[sflag:s0] =	ssyncadd.tile.s32 @!p0 $0x1;
	_ =	shalt  }
.Lfunc_end1:
_tile_overlayer_lowered:
.L_overlay_start_2:
0x46: {  	(tag) =	ssettag $0x2  }
0x47: {  	s0 =	rddreg [dreg:$0x0];
	s2 =	stileid.u32  }
0x48: {  	s1 =	rddreg [dreg:$0x1];
	p0 =	sne.s32 s2, $0x0  }
0x49: {  	s3 =	rddreg [dreg:$0x2];
	[bflag:$0x3] =	sbarrier.arrive $0xFFFF;
	s2 =	simm.s32 @!p0 $0x1C01  }
0x4a: {  	[timem:s3], [sflag:s2] =	dma.local @!p0 [hbm:s0], s1  }
0x4b: {  	s0 =	simm.s32 @!p0 $0x1  }
0x4c: {  	_ =	swait.ge @!p0 [sflag:s0], s1  }
0x4d: {  	s1 =	ssub.s32 @!p0 $0x0, s1;
	[sflag:s0] =	ssyncset.done @!p0 $0x0  }
0x4e: {  	[sflag:s0] =	ssyncadd.s32 @!p0 s1  }
0x4f: {  	[bflag:$0x3] =	sbarrier.arrive $0xFFFF  }
0x50: {  	_ =	shalt  }

</sc_bundles>
